<compile_context>
chip_gen: v7x
topology: tpu7x:2x2x1
jax: 0.10.2.dev20260603
libtpu: 0.0.44.dev20260713+nightly
codegen_flags: <defaults>
</compile_context>

<pallas_src>
import jax
import jax.numpy as jnp
from jax import lax
from jax.experimental import pallas as pl
from jax.experimental.pallas import tpu as pltpu, tpu_sc as plsc

_INFO = plsc.get_sparse_core_info()
_NC, _NS = _INFO.num_cores, _INFO.num_subcores
_NW = _NC * _NS

_B = 4 * 8192
_V = 256
_D = 1024
_DSPLIT = 4
_DT = _D // _DSPLIT
_IG = _NW // _DSPLIT
_PER_G = _B // _IG
_C = 16
_STEPS = _PER_G // _C


def _body(idx_hbm, table_hbm, out_hbm, idx_v, table_v, drain_v, isem, tsem, sem):
    wid = lax.axis_index("s") * _NC + lax.axis_index("c")
    ig = wid // _DSPLIT
    ds = wid % _DSPLIT
    gbase = ig * _PER_G
    dcol = ds * _DT

    pltpu.make_async_copy(table_hbm.at[ds], table_v, tsem).start()
    pltpu.make_async_copy(idx_hbm.at[pl.ds(gbase, _PER_G)], idx_v, isem).start()
    pltpu.make_async_copy(table_hbm.at[ds], table_v, tsem).wait()
    pltpu.make_async_copy(idx_hbm.at[pl.ds(gbase, _PER_G)], idx_v, isem).wait()

    def fire(g):
        ids16 = idx_v[pl.ds(g * _C, _C)]
        for j in range(_C):
            pltpu.make_async_copy(
                table_v.at[ids16[j]],
                out_hbm.at[gbase + g * _C + j, pl.ds(dcol, _DT)], sem).start()

    def drain():
        pltpu.make_async_copy(
            out_hbm.at[pl.ds(gbase, _C), pl.ds(dcol, _DT)], drain_v, sem).wait()

    fire(0)

    def chunk(g, carry):
        fire(g)
        drain()
        return carry

    lax.fori_loop(1, _STEPS, chunk, 0)
    drain()


@jax.jit
def _embed_lookup(ids_flat, table_t):
    mesh = plsc.VectorSubcoreMesh(core_axis_name="c", subcore_axis_name="s")
    run = pl.kernel(
        _body,
        out_type=jax.ShapeDtypeStruct((_B, _D), jnp.float32),
        mesh=mesh,
        scratch_types=[
            pltpu.VMEM((_PER_G,), jnp.int32),
            pltpu.VMEM((_V, _DT), jnp.float32),
            pltpu.VMEM((_C, _DT), jnp.float32),
            pltpu.SemaphoreType.DMA,
            pltpu.SemaphoreType.DMA,
            pltpu.SemaphoreType.DMA,
        ],
    )
    return run(ids_flat, table_t)


def kernel(input_ids, attention_mask, embed):
    ids_flat = input_ids.reshape(-1).astype(jnp.int32)
    table_t = embed.reshape(_V, _DSPLIT, _DT).transpose(1, 0, 2)
    out = _embed_lookup(ids_flat, table_t)
    return out.reshape(input_ids.shape[0], input_ids.shape[1], _D)

# --- scband reference (transcript-rebuilt; emitter-appended) ---
"""Pipeline reference for scband-dummy-backbone-clf-18159121727865 (READ-ONLY COPY).

The authoritative reference and input builder live on the scoring server;
editing this copy changes nothing except your own understanding.
"""

import jax, jax.numpy as jnp
import numpy as np


def setup_inputs(seed: int = 0) -> dict:
    key = jax.random.key(seed)
    k1, k2 = jax.random.split(key)
    input_ids = jax.random.randint(k1, (4, 8192), 0, 256)
    attention_mask = jnp.ones((4, 8192), dtype=jnp.int32)
    # Learned parameter: nn.Embedding(256, hidden_size=1024) weight table
    embed = jax.random.normal(k2, (256, 1024), dtype=jnp.float32) * 0.02
    return {"input_ids": input_ids, "attention_mask": attention_mask, "embed": embed}


def reference(input_ids, attention_mask, embed):
    # Faithful translation of DummyBackboneCLF.forward:
    #   h = self.embed(input_ids)  -> embedding gather
    #   return SimpleNamespace(hidden_states=[h]); the consumer reads hidden_states[-1],
    #   which is exactly h, so we return h directly.
    # attention_mask is accepted but unused, matching the original module.
    h = jnp.take(embed, input_ids, axis=0)
    return h

if __name__ == "__main__":
    import jax
    _d = setup_inputs()
    print(jax.jit(kernel)(*tuple(_d.values())))

</pallas_src>

<mosaic_0001>
#map = affine_map<(d0, d1) -> (0)>
#map1 = affine_map<(d0, d1) -> (0, 0, 0)>
#map2 = affine_map<(d0, d1) -> (0, 0)>
module attributes {stable_mosaic.version = 14 : i64} {
  func.func @_body(%arg0: i32, %arg1: i32, %arg2: memref<32768xi32, #tpu.memory_space<hbm>>, %arg3: memref<4x256x256xf32, #tpu.memory_space<hbm>>, %arg4: memref<32768x1024xf32, #tpu.memory_space<hbm>>, %arg5: memref<4096xi32, #tpu.memory_space<vmem>>, %arg6: memref<256x256xf32, #tpu.memory_space<vmem>>, %arg7: memref<16x256xf32, #tpu.memory_space<vmem>>, %arg8: memref<!tpu.dma_semaphore, #tpu.memory_space<semaphore_mem>>, %arg9: memref<!tpu.dma_semaphore, #tpu.memory_space<semaphore_mem>>, %arg10: memref<!tpu.dma_semaphore, #tpu.memory_space<semaphore_mem>>) attributes {dimension_semantics = [#tpu.dimension_semantics<core_parallel>, #tpu.dimension_semantics<subcore_parallel>], iteration_bounds = array<i64: 2, 16>, scalar_prefetch = 0 : i64, scratch_operands = 6 : i64, tpu.core_type = #tpu.core_type<sc_vector_subcore>, window_params = [{transform_indices = #map}, {transform_indices = #map1}, {transform_indices = #map2}]} {
    %mul3A = arith.constant 2 : i32
    %mul3A_0 = arith.muli %arg1, %mul3A : i32
    %add3A = arith.addi %mul3A_0, %arg0 : i32
    %jit3A = arith.constant 4 : i32
    %div3A = arith.divsi %add3A, %jit3A : i32
    %sign3A = arith.constant 0 : i32
    %sign3A_1 = arith.cmpi sgt, %add3A, %sign3A : i32
    %sign3A_2 = arith.extui %sign3A_1 : i1 to i32
    %sign3A_3 = arith.constant 0 : i32
    %sign3A_4 = arith.cmpi slt, %add3A, %sign3A_3 : i32
    %sign3A_5 = arith.extui %sign3A_4 : i1 to i32
    %sign3A_6 = arith.subi %sign3A_2, %sign3A_5 : i32
    %sign3A_7 = arith.constant 0 : i32
    %sign3A_8 = arith.cmpi sgt, %jit3A, %sign3A_7 : i32
    %sign3A_9 = arith.extui %sign3A_8 : i1 to i32
    %sign3A_10 = arith.constant 0 : i32
    %sign3A_11 = arith.cmpi slt, %jit3A, %sign3A_10 : i32
    %sign3A_12 = arith.extui %sign3A_11 : i1 to i32
    %sign3A_13 = arith.subi %sign3A_9, %sign3A_12 : i32
    %ne3A = arith.cmpi ne, %sign3A_6, %sign3A_13 : i32
    %rem3A = arith.remsi %add3A, %jit3A : i32
    %ne3A_14 = arith.constant 0 : i32
    %ne3A_15 = arith.cmpi ne, %rem3A, %ne3A_14 : i32
    %and3A = arith.andi %ne3A, %ne3A_15 : i1
    %sub3A = arith.constant 1 : i32
    %sub3A_16 = arith.subi %div3A, %sub3A : i32
    %select_n3A = arith.select %and3A, %sub3A_16, %div3A : i32
    %jit3A_17 = arith.constant 4 : i32
    %eq3A = arith.constant 0 : i32
    %eq3A_18 = arith.cmpi eq, %jit3A_17, %eq3A : i32
    %jit3A_19 = arith.constant 1 : i32
    %select_n3A_20 = arith.select %eq3A_18, %jit3A_19, %jit3A_17 : i32
    %rem3A_21 = arith.remsi %add3A, %select_n3A_20 : i32
    %ne3A_22 = arith.constant 0 : i32
    %ne3A_23 = arith.cmpi ne, %rem3A_21, %ne3A_22 : i32
    %lt3A = arith.constant 0 : i32
    %lt3A_24 = arith.cmpi slt, %rem3A_21, %lt3A : i32
    %lt3A_25 = arith.constant 0 : i32
    %lt3A_26 = arith.cmpi slt, %select_n3A_20, %lt3A_25 : i32
    %ne3A_27 = arith.xori %lt3A_24, %lt3A_26 : i1
    %and3A_28 = arith.andi %ne3A_27, %ne3A_23 : i1
    %add3A_29 = arith.addi %rem3A_21, %select_n3A_20 : i32
    %select_n3A_30 = arith.select %and3A_28, %add3A_29, %rem3A_21 : i32
    %mul3A_31 = arith.constant 4096 : i32
    %mul3A_32 = arith.muli %select_n3A, %mul3A_31 : i32
    %mul3A_33 = arith.constant 256 : i32
    %mul3A_34 = arith.muli %select_n3A_30, %mul3A_33 : i32
    %dma_start3A = arith.constant 0 : i32
    %dma_start3A_35 = arith.constant 0 : i32
    %dma_start3A_36 = tpu.memref_slice %arg3[%select_n3A_30, %dma_start3A, %dma_start3A_35] : memref<4x256x256xf32, #tpu.memory_space<hbm>> -> memref<1x256x256xf32, #tpu.memory_space<hbm>>
    %dma_start3A_37 = tpu.memref_squeeze %dma_start3A_36 : memref<1x256x256xf32, #tpu.memory_space<hbm>> -> memref<256x256xf32, #tpu.memory_space<hbm>>
    %dma_start3A_38 = arith.constant 0 : i32
    %dma_start3A_39 = arith.constant 0 : i32
    %dma_start3A_40 = tpu.memref_slice %arg3[%select_n3A_30, %dma_start3A_38, %dma_start3A_39] : memref<4x256x256xf32, #tpu.memory_space<hbm>> -> memref<1x256x256xf32, #tpu.memory_space<hbm>>
    %dma_start3A_41 = tpu.memref_squeeze %dma_start3A_40 : memref<1x256x256xf32, #tpu.memory_space<hbm>> -> memref<256x256xf32, #tpu.memory_space<hbm>>
    tpu.enqueue_dma source(%dma_start3A_41 : memref<256x256xf32, #tpu.memory_space<hbm>>) target(%arg6 : memref<256x256xf32, #tpu.memory_space<vmem>>) target_semaphore(%arg9 : memref<!tpu.dma_semaphore, #tpu.memory_space<semaphore_mem>>)
    %dma_start3A_42 = tpu.memref_slice %arg2[%mul3A_32] : memref<32768xi32, #tpu.memory_space<hbm>> -> memref<4096xi32, #tpu.memory_space<hbm>>
    %dma_start3A_43 = tpu.memref_slice %arg2[%mul3A_32] : memref<32768xi32, #tpu.memory_space<hbm>> -> memref<4096xi32, #tpu.memory_space<hbm>>
    tpu.enqueue_dma source(%dma_start3A_43 : memref<4096xi32, #tpu.memory_space<hbm>>) target(%arg5 : memref<4096xi32, #tpu.memory_space<vmem>>) target_semaphore(%arg8 : memref<!tpu.dma_semaphore, #tpu.memory_space<semaphore_mem>>)
    %dma_wait3A = arith.constant 0 : i32
    %dma_wait3A_44 = arith.constant 0 : i32
    %dma_wait3A_45 = tpu.memref_slice %arg3[%select_n3A_30, %dma_wait3A, %dma_wait3A_44] : memref<4x256x256xf32, #tpu.memory_space<hbm>> -> memref<1x256x256xf32, #tpu.memory_space<hbm>>
    %dma_wait3A_46 = tpu.memref_squeeze %dma_wait3A_45 : memref<1x256x256xf32, #tpu.memory_space<hbm>> -> memref<256x256xf32, #tpu.memory_space<hbm>>
    %dma_wait3A_47 = arith.constant 0 : i32
    %dma_wait3A_48 = arith.constant 0 : i32
    %dma_wait3A_49 = tpu.memref_slice %arg3[%select_n3A_30, %dma_wait3A_47, %dma_wait3A_48] : memref<4x256x256xf32, #tpu.memory_space<hbm>> -> memref<1x256x256xf32, #tpu.memory_space<hbm>>
    %dma_wait3A_50 = tpu.memref_squeeze %dma_wait3A_49 : memref<1x256x256xf32, #tpu.memory_space<hbm>> -> memref<256x256xf32, #tpu.memory_space<hbm>>
    tpu.wait_dma2 semaphore(%arg9 : memref<!tpu.dma_semaphore, #tpu.memory_space<semaphore_mem>>) src(%dma_wait3A_50 : memref<256x256xf32, #tpu.memory_space<hbm>>) dst(%arg6 : memref<256x256xf32, #tpu.memory_space<vmem>>)
    %dma_wait3A_51 = tpu.memref_slice %arg2[%mul3A_32] : memref<32768xi32, #tpu.memory_space<hbm>> -> memref<4096xi32, #tpu.memory_space<hbm>>
    %dma_wait3A_52 = tpu.memref_slice %arg2[%mul3A_32] : memref<32768xi32, #tpu.memory_space<hbm>> -> memref<4096xi32, #tpu.memory_space<hbm>>
    tpu.wait_dma2 semaphore(%arg8 : memref<!tpu.dma_semaphore, #tpu.memory_space<semaphore_mem>>) src(%dma_wait3A_52 : memref<4096xi32, #tpu.memory_space<hbm>>) dst(%arg5 : memref<4096xi32, #tpu.memory_space<vmem>>)
    %get3A = arith.constant 0 : index
    %get3A_53 = tpu.vector_load %arg5[%get3A] {strides = array<i32>} : memref<4096xi32, #tpu.memory_space<vmem>>, vector<16xi32>,
    %get3A_54 = vector.shape_cast %get3A_53 : vector<16xi32> to vector<16xi32>
    %slice3A = vector.extract_strided_slice %get3A_54 {offsets = [0], sizes = [1], strides = [1]} : vector<16xi32> to vector<1xi32>
    %squeeze3A = vector.extract %slice3A[0] : i32 from vector<1xi32>
    %add3A_55 = arith.constant 0 : i32
    %add3A_56 = arith.addi %mul3A_32, %add3A_55 : i32
    %add3A_57 = arith.constant 0 : i32
    %add3A_58 = arith.addi %add3A_56, %add3A_57 : i32
    %dma_start3A_59 = arith.constant 0 : i32
    %dma_start3A_60 = tpu.memref_slice %arg6[%squeeze3A, %dma_start3A_59] : memref<256x256xf32, #tpu.memory_space<vmem>> -> memref<1x256xf32, #tpu.memory_space<vmem>>
    %dma_start3A_61 = tpu.memref_squeeze %dma_start3A_60 : memref<1x256xf32, #tpu.memory_space<vmem>> -> memref<256xf32, #tpu.memory_space<vmem>>
    %dma_start3A_62 = tpu.memref_slice %arg4[%add3A_58, %mul3A_34] : memref<32768x1024xf32, #tpu.memory_space<hbm>> -> memref<1x256xf32, #tpu.memory_space<hbm>>
    %dma_start3A_63 = tpu.memref_squeeze %dma_start3A_62 : memref<1x256xf32, #tpu.memory_space<hbm>> -> memref<256xf32, #tpu.memory_space<hbm>>
    %dma_start3A_64 = tpu.memref_slice %arg4[%add3A_58, %mul3A_34] : memref<32768x1024xf32, #tpu.memory_space<hbm>> -> memref<1x256xf32, #tpu.memory_space<hbm>>
    %dma_start3A_65 = tpu.memref_squeeze %dma_start3A_64 : memref<1x256xf32, #tpu.memory_space<hbm>> -> memref<256xf32, #tpu.memory_space<hbm>>
    %dma_start3A_66 = arith.constant 0 : i32
    %dma_start3A_67 = tpu.memref_slice %arg6[%squeeze3A, %dma_start3A_66] : memref<256x256xf32, #tpu.memory_space<vmem>> -> memref<1x256xf32, #tpu.memory_space<vmem>>
    %dma_start3A_68 = tpu.memref_squeeze %dma_start3A_67 : memref<1x256xf32, #tpu.memory_space<vmem>> -> memref<256xf32, #tpu.memory_space<vmem>>
    tpu.enqueue_dma source(%dma_start3A_68 : memref<256xf32, #tpu.memory_space<vmem>>) target(%dma_start3A_65 : memref<256xf32, #tpu.memory_space<hbm>>) target_semaphore(%arg10 : memref<!tpu.dma_semaphore, #tpu.memory_space<semaphore_mem>>)
    %slice3A_69 = vector.extract_strided_slice %get3A_54 {offsets = [1], sizes = [1], strides = [1]} : vector<16xi32> to vector<1xi32>
    %squeeze3A_70 = vector.extract %slice3A_69[0] : i32 from vector<1xi32>
    %add3A_71 = arith.constant 0 : i32
    %add3A_72 = arith.addi %mul3A_32, %add3A_71 : i32
    %add3A_73 = arith.constant 1 : i32
    %add3A_74 = arith.addi %add3A_72, %add3A_73 : i32
    %dma_start3A_75 = arith.constant 0 : i32
    %dma_start3A_76 = tpu.memref_slice %arg6[%squeeze3A_70, %dma_start3A_75] : memref<256x256xf32, #tpu.memory_space<vmem>> -> memref<1x256xf32, #tpu.memory_space<vmem>>
    %dma_start3A_77 = tpu.memref_squeeze %dma_start3A_76 : memref<1x256xf32, #tpu.memory_space<vmem>> -> memref<256xf32, #tpu.memory_space<vmem>>
    %dma_start3A_78 = tpu.memref_slice %arg4[%add3A_74, %mul3A_34] : memref<32768x1024xf32, #tpu.memory_space<hbm>> -> memref<1x256xf32, #tpu.memory_space<hbm>>
    %dma_start3A_79 = tpu.memref_squeeze %dma_start3A_78 : memref<1x256xf32, #tpu.memory_space<hbm>> -> memref<256xf32, #tpu.memory_space<hbm>>
    %dma_start3A_80 = tpu.memref_slice %arg4[%add3A_74, %mul3A_34] : memref<32768x1024xf32, #tpu.memory_space<hbm>> -> memref<1x256xf32, #tpu.memory_space<hbm>>
    %dma_start3A_81 = tpu.memref_squeeze %dma_start3A_80 : memref<1x256xf32, #tpu.memory_space<hbm>> -> memref<256xf32, #tpu.memory_space<hbm>>
    %dma_start3A_82 = arith.constant 0 : i32
    %dma_start3A_83 = tpu.memref_slice %arg6[%squeeze3A_70, %dma_start3A_82] : memref<256x256xf32, #tpu.memory_space<vmem>> -> memref<1x256xf32, #tpu.memory_space<vmem>>
    %dma_start3A_84 = tpu.memref_squeeze %dma_start3A_83 : memref<1x256xf32, #tpu.memory_space<vmem>> -> memref<256xf32, #tpu.memory_space<vmem>>
    tpu.enqueue_dma source(%dma_start3A_84 : memref<256xf32, #tpu.memory_space<vmem>>) target(%dma_start3A_81 : memref<256xf32, #tpu.memory_space<hbm>>) target_semaphore(%arg10 : memref<!tpu.dma_semaphore, #tpu.memory_space<semaphore_mem>>)
    %slice3A_85 = vector.extract_strided_slice %get3A_54 {offsets = [2], sizes = [1], strides = [1]} : vector<16xi32> to vector<1xi32>
    %squeeze3A_86 = vector.extract %slice3A_85[0] : i32 from vector<1xi32>
    %add3A_87 = arith.constant 0 : i32
    %add3A_88 = arith.addi %mul3A_32, %add3A_87 : i32
    %add3A_89 = arith.constant 2 : i32
    %add3A_90 = arith.addi %add3A_88, %add3A_89 : i32
    %dma_start3A_91 = arith.constant 0 : i32
    %dma_start3A_92 = tpu.memref_slice %arg6[%squeeze3A_86, %dma_start3A_91] : memref<256x256xf32, #tpu.memory_space<vmem>> -> memref<1x256xf32, #tpu.memory_space<vmem>>
    %dma_start3A_93 = tpu.memref_squeeze %dma_start3A_92 : memref<1x256xf32, #tpu.memory_space<vmem>> -> memref<256xf32, #tpu.memory_space<vmem>>
    %dma_start3A_94 = tpu.memref_slice %arg4[%add3A_90, %mul3A_34] : memref<32768x1024xf32, #tpu.memory_space<hbm>> -> memref<1x256xf32, #tpu.memory_space<hbm>>
    %dma_start3A_95 = tpu.memref_squeeze %dma_start3A_94 : memref<1x256xf32, #tpu.memory_space<hbm>> -> memref<256xf32, #tpu.memory_space<hbm>>
    %dma_start3A_96 = tpu.memref_slice %arg4[%add3A_90, %mul3A_34] : memref<32768x1024xf32, #tpu.memory_space<hbm>> -> memref<1x256xf32, #tpu.memory_space<hbm>>
    %dma_start3A_97 = tpu.memref_squeeze %dma_start3A_96 : memref<1x256xf32, #tpu.memory_space<hbm>> -> memref<256xf32, #tpu.memory_space<hbm>>
    %dma_start3A_98 = arith.constant 0 : i32
    %dma_start3A_99 = tpu.memref_slice %arg6[%squeeze3A_86, %dma_start3A_98] : memref<256x256xf32, #tpu.memory_space<vmem>> -> memref<1x256xf32, #tpu.memory_space<vmem>>
    %dma_start3A_100 = tpu.memref_squeeze %dma_start3A_99 : memref<1x256xf32, #tpu.memory_space<vmem>> -> memref<256xf32, #tpu.memory_space<vmem>>
    tpu.enqueue_dma source(%dma_start3A_100 : memref<256xf32, #tpu.memory_space<vmem>>) target(%dma_start3A_97 : memref<256xf32, #tpu.memory_space<hbm>>) target_semaphore(%arg10 : memref<!tpu.dma_semaphore, #tpu.memory_space<semaphore_mem>>)
    %slice3A_101 = vector.extract_strided_slice %get3A_54 {offsets = [3], sizes = [1], strides = [1]} : vector<16xi32> to vector<1xi32>
    %squeeze3A_102 = vector.extract %slice3A_101[0] : i32 from vector<1xi32>
    %add3A_103 = arith.constant 0 : i32
    %add3A_104 = arith.addi %mul3A_32, %add3A_103 : i32
    %add3A_105 = arith.constant 3 : i32
    %add3A_106 = arith.addi %add3A_104, %add3A_105 : i32
    %dma_start3A_107 = arith.constant 0 : i32
    %dma_start3A_108 = tpu.memref_slice %arg6[%squeeze3A_102, %dma_start3A_107] : memref<256x256xf32, #tpu.memory_space<vmem>> -> memref<1x256xf32, #tpu.memory_space<vmem>>
    %dma_start3A_109 = tpu.memref_squeeze %dma_start3A_108 : memref<1x256xf32, #tpu.memory_space<vmem>> -> memref<256xf32, #tpu.memory_space<vmem>>
    %dma_start3A_110 = tpu.memref_slice %arg4[%add3A_106, %mul3A_34] : memref<32768x1024xf32, #tpu.memory_space<hbm>> -> memref<1x256xf32, #tpu.memory_space<hbm>>
    %dma_start3A_111 = tpu.memref_squeeze %dma_start3A_110 : memref<1x256xf32, #tpu.memory_space<hbm>> -> memref<256xf32, #tpu.memory_space<hbm>>
    %dma_start3A_112 = tpu.memref_slice %arg4[%add3A_106, %mul3A_34] : memref<32768x1024xf32, #tpu.memory_space<hbm>> -> memref<1x256xf32, #tpu.memory_space<hbm>>
    %dma_start3A_113 = tpu.memref_squeeze %dma_start3A_112 : memref<1x256xf32, #tpu.memory_space<hbm>> -> memref<256xf32, #tpu.memory_space<hbm>>
    %dma_start3A_114 = arith.constant 0 : i32
    %dma_start3A_115 = tpu.memref_slice %arg6[%squeeze3A_102, %dma_start3A_114] : memref<256x256xf32, #tpu.memory_space<vmem>> -> memref<1x256xf32, #tpu.memory_space<vmem>>
    %dma_start3A_116 = tpu.memref_squeeze %dma_start3A_115 : memref<1x256xf32, #tpu.memory_space<vmem>> -> memref<256xf32, #tpu.memory_space<vmem>>
    tpu.enqueue_dma source(%dma_start3A_116 : memref<256xf32, #tpu.memory_space<vmem>>) target(%dma_start3A_113 : memref<256xf32, #tpu.memory_space<hbm>>) target_semaphore(%arg10 : memref<!tpu.dma_semaphore, #tpu.memory_space<semaphore_mem>>)
    %slice3A_117 = vector.extract_strided_slice %get3A_54 {offsets = [4], sizes = [1], strides = [1]} : vector<16xi32> to vector<1xi32>
    %squeeze3A_118 = vector.extract %slice3A_117[0] : i32 from vector<1xi32>
    %add3A_119 = arith.constant 0 : i32
    %add3A_120 = arith.addi %mul3A_32, %add3A_119 : i32
    %add3A_121 = arith.constant 4 : i32
    %add3A_122 = arith.addi %add3A_120, %add3A_121 : i32
    %dma_start3A_123 = arith.constant 0 : i32
    %dma_start3A_124 = tpu.memref_slice %arg6[%squeeze3A_118, %dma_start3A_123] : memref<256x256xf32, #tpu.memory_space<vmem>> -> memref<1x256xf32, #tpu.memory_space<vmem>>
    %dma_start3A_125 = tpu.memref_squeeze %dma_start3A_124 : memref<1x256xf32, #tpu.memory_space<vmem>> -> memref<256xf32, #tpu.memory_space<vmem>>
    %dma_start3A_126 = tpu.memref_slice %arg4[%add3A_122, %mul3A_34] : memref<32768x1024xf32, #tpu.memory_space<hbm>> -> memref<1x256xf32, #tpu.memory_space<hbm>>
    %dma_start3A_127 = tpu.memref_squeeze %dma_start3A_126 : memref<1x256xf32, #tpu.memory_space<hbm>> -> memref<256xf32, #tpu.memory_space<hbm>>
    %dma_start3A_128 = tpu.memref_slice %arg4[%add3A_122, %mul3A_34] : memref<32768x1024xf32, #tpu.memory_space<hbm>> -> memref<1x256xf32, #tpu.memory_space<hbm>>
    %dma_start3A_129 = tpu.memref_squeeze %dma_start3A_128 : memref<1x256xf32, #tpu.memory_space<hbm>> -> memref<256xf32, #tpu.memory_space<hbm>>
    %dma_start3A_130 = arith.constant 0 : i32
    %dma_start3A_131 = tpu.memref_slice %arg6[%squeeze3A_118, %dma_start3A_130] : memref<256x256xf32, #tpu.memory_space<vmem>> -> memref<1x256xf32, #tpu.memory_space<vmem>>
    %dma_start3A_132 = tpu.memref_squeeze %dma_start3A_131 : memref<1x256xf32, #tpu.memory_space<vmem>> -> memref<256xf32, #tpu.memory_space<vmem>>
    tpu.enqueue_dma source(%dma_start3A_132 : memref<256xf32, #tpu.memory_space<vmem>>) target(%dma_start3A_129 : memref<256xf32, #tpu.memory_space<hbm>>) target_semaphore(%arg10 : memref<!tpu.dma_semaphore, #tpu.memory_space<semaphore_mem>>)
    %slice3A_133 = vector.extract_strided_slice %get3A_54 {offsets = [5], sizes = [1], strides = [1]} : vector<16xi32> to vector<1xi32>
    %squeeze3A_134 = vector.extract %slice3A_133[0] : i32 from vector<1xi32>
    %add3A_135 = arith.constant 0 : i32
    %add3A_136 = arith.addi %mul3A_32, %add3A_135 : i32
    %add3A_137 = arith.constant 5 : i32
    %add3A_138 = arith.addi %add3A_136, %add3A_137 : i32
    %dma_start3A_139 = arith.constant 0 : i32
    %dma_start3A_140 = tpu.memref_slice %arg6[%squeeze3A_134, %dma_start3A_139] : memref<256x256xf32, #tpu.memory_space<vmem>> -> memref<1x256xf32, #tpu.memory_space<vmem>>
    %dma_start3A_141 = tpu.memref_squeeze %dma_start3A_140 : memref<1x256xf32, #tpu.memory_space<vmem>> -> memref<256xf32, #tpu.memory_space<vmem>>
    %dma_start3A_142 = tpu.memref_slice %arg4[%add3A_138, %mul3A_34] : memref<32768x1024xf32, #tpu.memory_space<hbm>> -> memref<1x256xf32, #tpu.memory_space<hbm>>
    %dma_start3A_143 = tpu.memref_squeeze %dma_start3A_142 : memref<1x256xf32, #tpu.memory_space<hbm>> -> memref<256xf32, #tpu.memory_space<hbm>>
    %dma_start3A_144 = tpu.memref_slice %arg4[%add3A_138, %mul3A_34] : memref<32768x1024xf32, #tpu.memory_space<hbm>> -> memref<1x256xf32, #tpu.memory_space<hbm>>
    %dma_start3A_145 = tpu.memref_squeeze %dma_start3A_144 : memref<1x256xf32, #tpu.memory_space<hbm>> -> memref<256xf32, #tpu.memory_space<hbm>>
    %dma_start3A_146 = arith.constant 0 : i32
    %dma_start3A_147 = tpu.memref_slice %arg6[%squeeze3A_134, %dma_start3A_146] : memref<256x256xf32, #tpu.memory_space<vmem>> -> memref<1x256xf32, #tpu.memory_space<vmem>>
    %dma_start3A_148 = tpu.memref_squeeze %dma_start3A_147 : memref<1x256xf32, #tpu.memory_space<vmem>> -> memref<256xf32, #tpu.memory_space<vmem>>
    tpu.enqueue_dma source(%dma_start3A_148 : memref<256xf32, #tpu.memory_space<vmem>>) target(%dma_start3A_145 : memref<256xf32, #tpu.memory_space<hbm>>) target_semaphore(%arg10 : memref<!tpu.dma_semaphore, #tpu.memory_space<semaphore_mem>>)
    %slice3A_149 = vector.extract_strided_slice %get3A_54 {offsets = [6], sizes = [1], strides = [1]} : vector<16xi32> to vector<1xi32>
    %squeeze3A_150 = vector.extract %slice3A_149[0] : i32 from vector<1xi32>
    %add3A_151 = arith.constant 0 : i32
    %add3A_152 = arith.addi %mul3A_32, %add3A_151 : i32
    %add3A_153 = arith.constant 6 : i32
    %add3A_154 = arith.addi %add3A_152, %add3A_153 : i32
    %dma_start3A_155 = arith.constant 0 : i32
    %dma_start3A_156 = tpu.memref_slice %arg6[%squeeze3A_150, %dma_start3A_155] : memref<256x256xf32, #tpu.memory_space<vmem>> -> memref<1x256xf32, #tpu.memory_space<vmem>>
    %dma_start3A_157 = tpu.memref_squeeze %dma_start3A_156 : memref<1x256xf32, #tpu.memory_space<vmem>> -> memref<256xf32, #tpu.memory_space<vmem>>
    %dma_start3A_158 = tpu.memref_slice %arg4[%add3A_154, %mul3A_34] : memref<32768x1024xf32, #tpu.memory_space<hbm>> -> memref<1x256xf32, #tpu.memory_space<hbm>>
    %dma_start3A_159 = tpu.memref_squeeze %dma_start3A_158 : memref<1x256xf32, #tpu.memory_space<hbm>> -> memref<256xf32, #tpu.memory_space<hbm>>
    %dma_start3A_160 = tpu.memref_slice %arg4[%add3A_154, %mul3A_34] : memref<32768x1024xf32, #tpu.memory_space<hbm>> -> memref<1x256xf32, #tpu.memory_space<hbm>>
    %dma_start3A_161 = tpu.memref_squeeze %dma_start3A_160 : memref<1x256xf32, #tpu.memory_space<hbm>> -> memref<256xf32, #tpu.memory_space<hbm>>
    %dma_start3A_162 = arith.constant 0 : i32
    %dma_start3A_163 = tpu.memref_slice %arg6[%squeeze3A_150, %dma_start3A_162] : memref<256x256xf32, #tpu.memory_space<vmem>> -> memref<1x256xf32, #tpu.memory_space<vmem>>
    %dma_start3A_164 = tpu.memref_squeeze %dma_start3A_163 : memref<1x256xf32, #tpu.memory_space<vmem>> -> memref<256xf32, #tpu.memory_space<vmem>>
    tpu.enqueue_dma source(%dma_start3A_164 : memref<256xf32, #tpu.memory_space<vmem>>) target(%dma_start3A_161 : memref<256xf32, #tpu.memory_space<hbm>>) target_semaphore(%arg10 : memref<!tpu.dma_semaphore, #tpu.memory_space<semaphore_mem>>)
    %slice3A_165 = vector.extract_strided_slice %get3A_54 {offsets = [7], sizes = [1], strides = [1]} : vector<16xi32> to vector<1xi32>
    %squeeze3A_166 = vector.extract %slice3A_165[0] : i32 from vector<1xi32>
    %add3A_167 = arith.constant 0 : i32
    %add3A_168 = arith.addi %mul3A_32, %add3A_167 : i32
    %add3A_169 = arith.constant 7 : i32
    %add3A_170 = arith.addi %add3A_168, %add3A_169 : i32
    %dma_start3A_171 = arith.constant 0 : i32
    %dma_start3A_172 = tpu.memref_slice %arg6[%squeeze3A_166, %dma_start3A_171] : memref<256x256xf32, #tpu.memory_space<vmem>> -> memref<1x256xf32, #tpu.memory_space<vmem>>
    %dma_start3A_173 = tpu.memref_squeeze %dma_start3A_172 : memref<1x256xf32, #tpu.memory_space<vmem>> -> memref<256xf32, #tpu.memory_space<vmem>>
    %dma_start3A_174 = tpu.memref_slice %arg4[%add3A_170, %mul3A_34] : memref<32768x1024xf32, #tpu.memory_space<hbm>> -> memref<1x256xf32, #tpu.memory_space<hbm>>
    %dma_start3A_175 = tpu.memref_squeeze %dma_start3A_174 : memref<1x256xf32, #tpu.memory_space<hbm>> -> memref<256xf32, #tpu.memory_space<hbm>>
    %dma_start3A_176 = tpu.memref_slice %arg4[%add3A_170, %mul3A_34] : memref<32768x1024xf32, #tpu.memory_space<hbm>> -> memref<1x256xf32, #tpu.memory_space<hbm>>
    %dma_start3A_177 = tpu.memref_squeeze %dma_start3A_176 : memref<1x256xf32, #tpu.memory_space<hbm>> -> memref<256xf32, #tpu.memory_space<hbm>>
    %dma_start3A_178 = arith.constant 0 : i32
    %dma_start3A_179 = tpu.memref_slice %arg6[%squeeze3A_166, %dma_start3A_178] : memref<256x256xf32, #tpu.memory_space<vmem>> -> memref<1x256xf32, #tpu.memory_space<vmem>>
    %dma_start3A_180 = tpu.memref_squeeze %dma_start3A_179 : memref<1x256xf32, #tpu.memory_space<vmem>> -> memref<256xf32, #tpu.memory_space<vmem>>
    tpu.enqueue_dma source(%dma_start3A_180 : memref<256xf32, #tpu.memory_space<vmem>>) target(%dma_start3A_177 : memref<256xf32, #tpu.memory_space<hbm>>) target_semaphore(%arg10 : memref<!tpu.dma_semaphore, #tpu.memory_space<semaphore_mem>>)
    %slice3A_181 = vector.extract_strided_slice %get3A_54 {offsets = [8], sizes = [1], strides = [1]} : vector<16xi32> to vector<1xi32>
    %squeeze3A_182 = vector.extract %slice3A_181[0] : i32 from vector<1xi32>
    %add3A_183 = arith.constant 0 : i32
    %add3A_184 = arith.addi %mul3A_32, %add3A_183 : i32
    %add3A_185 = arith.constant 8 : i32
    %add3A_186 = arith.addi %add3A_184, %add3A_185 : i32
    %dma_start3A_187 = arith.constant 0 : i32
    %dma_start3A_188 = tpu.memref_slice %arg6[%squeeze3A_182, %dma_start3A_187] : memref<256x256xf32, #tpu.memory_space<vmem>> -> memref<1x256xf32, #tpu.memory_space<vmem>>
    %dma_start3A_189 = tpu.memref_squeeze %dma_start3A_188 : memref<1x256xf32, #tpu.memory_space<vmem>> -> memref<256xf32, #tpu.memory_space<vmem>>
    %dma_start3A_190 = tpu.memref_slice %arg4[%add3A_186, %mul3A_34] : memref<32768x1024xf32, #tpu.memory_space<hbm>> -> memref<1x256xf32, #tpu.memory_space<hbm>>
    %dma_start3A_191 = tpu.memref_squeeze %dma_start3A_190 : memref<1x256xf32, #tpu.memory_space<hbm>> -> memref<256xf32, #tpu.memory_space<hbm>>
    %dma_start3A_192 = tpu.memref_slice %arg4[%add3A_186, %mul3A_34] : memref<32768x1024xf32, #tpu.memory_space<hbm>> -> memref<1x256xf32, #tpu.memory_space<hbm>>
    %dma_start3A_193 = tpu.memref_squeeze %dma_start3A_192 : memref<1x256xf32, #tpu.memory_space<hbm>> -> memref<256xf32, #tpu.memory_space<hbm>>
    %dma_start3A_194 = arith.constant 0 : i32
    %dma_start3A_195 = tpu.memref_slice %arg6[%squeeze3A_182, %dma_start3A_194] : memref<256x256xf32, #tpu.memory_space<vmem>> -> memref<1x256xf32, #tpu.memory_space<vmem>>
    %dma_start3A_196 = tpu.memref_squeeze %dma_start3A_195 : memref<1x256xf32, #tpu.memory_space<vmem>> -> memref<256xf32, #tpu.memory_space<vmem>>
    tpu.enqueue_dma source(%dma_start3A_196 : memref<256xf32, #tpu.memory_space<vmem>>) target(%dma_start3A_193 : memref<256xf32, #tpu.memory_space<hbm>>) target_semaphore(%arg10 : memref<!tpu.dma_semaphore, #tpu.memory_space<semaphore_mem>>)
    %slice3A_197 = vector.extract_strided_slice %get3A_54 {offsets = [9], sizes = [1], strides = [1]} : vector<16xi32> to vector<1xi32>
    %squeeze3A_198 = vector.extract %slice3A_197[0] : i32 from vector<1xi32>
    %add3A_199 = arith.constant 0 : i32
    %add3A_200 = arith.addi %mul3A_32, %add3A_199 : i32
    %add3A_201 = arith.constant 9 : i32
    %add3A_202 = arith.addi %add3A_200, %add3A_201 : i32
    %dma_start3A_203 = arith.constant 0 : i32
    %dma_start3A_204 = tpu.memref_slice %arg6[%squeeze3A_198, %dma_start3A_203] : memref<256x256xf32, #tpu.memory_space<vmem>> -> memref<1x256xf32, #tpu.memory_space<vmem>>
    %dma_start3A_205 = tpu.memref_squeeze %dma_start3A_204 : memref<1x256xf32, #tpu.memory_space<vmem>> -> memref<256xf32, #tpu.memory_space<vmem>>
    %dma_start3A_206 = tpu.memref_slice %arg4[%add3A_202, %mul3A_34] : memref<32768x1024xf32, #tpu.memory_space<hbm>> -> memref<1x256xf32, #tpu.memory_space<hbm>>
    %dma_start3A_207 = tpu.memref_squeeze %dma_start3A_206 : memref<1x256xf32, #tpu.memory_space<hbm>> -> memref<256xf32, #tpu.memory_space<hbm>>
    %dma_start3A_208 = tpu.memref_slice %arg4[%add3A_202, %mul3A_34] : memref<32768x1024xf32, #tpu.memory_space<hbm>> -> memref<1x256xf32, #tpu.memory_space<hbm>>
    %dma_start3A_209 = tpu.memref_squeeze %dma_start3A_208 : memref<1x256xf32, #tpu.memory_space<hbm>> -> memref<256xf32, #tpu.memory_space<hbm>>
    %dma_start3A_210 = arith.constant 0 : i32
    %dma_start3A_211 = tpu.memref_slice %arg6[%squeeze3A_198, %dma_start3A_210] : memref<256x256xf32, #tpu.memory_space<vmem>> -> memref<1x256xf32, #tpu.memory_space<vmem>>
    %dma_start3A_212 = tpu.memref_squeeze %dma_start3A_211 : memref<1x256xf32, #tpu.memory_space<vmem>> -> memref<256xf32, #tpu.memory_space<vmem>>
    tpu.enqueue_dma source(%dma_start3A_212 : memref<256xf32, #tpu.memory_space<vmem>>) target(%dma_start3A_209 : memref<256xf32, #tpu.memory_space<hbm>>) target_semaphore(%arg10 : memref<!tpu.dma_semaphore, #tpu.memory_space<semaphore_mem>>)
    %slice3A_213 = vector.extract_strided_slice %get3A_54 {offsets = [10], sizes = [1], strides = [1]} : vector<16xi32> to vector<1xi32>
    %squeeze3A_214 = vector.extract %slice3A_213[0] : i32 from vector<1xi32>
    %add3A_215 = arith.constant 0 : i32
    %add3A_216 = arith.addi %mul3A_32, %add3A_215 : i32
    %add3A_217 = arith.constant 10 : i32
    %add3A_218 = arith.addi %add3A_216, %add3A_217 : i32
    %dma_start3A_219 = arith.constant 0 : i32
    %dma_start3A_220 = tpu.memref_slice %arg6[%squeeze3A_214, %dma_start3A_219] : memref<256x256xf32, #tpu.memory_space<vmem>> -> memref<1x256xf32, #tpu.memory_space<vmem>>
    %dma_start3A_221 = tpu.memref_squeeze %dma_start3A_220 : memref<1x256xf32, #tpu.memory_space<vmem>> -> memref<256xf32, #tpu.memory_space<vmem>>
    %dma_start3A_222 = tpu.memref_slice %arg4[%add3A_218, %mul3A_34] : memref<32768x1024xf32, #tpu.memory_space<hbm>> -> memref<1x256xf32, #tpu.memory_space<hbm>>
    %dma_start3A_223 = tpu.memref_squeeze %dma_start3A_222 : memref<1x256xf32, #tpu.memory_space<hbm>> -> memref<256xf32, #tpu.memory_space<hbm>>
    %dma_start3A_224 = tpu.memref_slice %arg4[%add3A_218, %mul3A_34] : memref<32768x1024xf32, #tpu.memory_space<hbm>> -> memref<1x256xf32, #tpu.memory_space<hbm>>
    %dma_start3A_225 = tpu.memref_squeeze %dma_start3A_224 : memref<1x256xf32, #tpu.memory_space<hbm>> -> memref<256xf32, #tpu.memory_space<hbm>>
    %dma_start3A_226 = arith.constant 0 : i32
    %dma_start3A_227 = tpu.memref_slice %arg6[%squeeze3A_214, %dma_start3A_226] : memref<256x256xf32, #tpu.memory_space<vmem>> -> memref<1x256xf32, #tpu.memory_space<vmem>>
    %dma_start3A_228 = tpu.memref_squeeze %dma_start3A_227 : memref<1x256xf32, #tpu.memory_space<vmem>> -> memref<256xf32, #tpu.memory_space<vmem>>
    tpu.enqueue_dma source(%dma_start3A_228 : memref<256xf32, #tpu.memory_space<vmem>>) target(%dma_start3A_225 : memref<256xf32, #tpu.memory_space<hbm>>) target_semaphore(%arg10 : memref<!tpu.dma_semaphore, #tpu.memory_space<semaphore_mem>>)
    %slice3A_229 = vector.extract_strided_slice %get3A_54 {offsets = [11], sizes = [1], strides = [1]} : vector<16xi32> to vector<1xi32>
    %squeeze3A_230 = vector.extract %slice3A_229[0] : i32 from vector<1xi32>
    %add3A_231 = arith.constant 0 : i32
    %add3A_232 = arith.addi %mul3A_32, %add3A_231 : i32
    %add3A_233 = arith.constant 11 : i32
    %add3A_234 = arith.addi %add3A_232, %add3A_233 : i32
    %dma_start3A_235 = arith.constant 0 : i32
    %dma_start3A_236 = tpu.memref_slice %arg6[%squeeze3A_230, %dma_start3A_235] : memref<256x256xf32, #tpu.memory_space<vmem>> -> memref<1x256xf32, #tpu.memory_space<vmem>>
    %dma_start3A_237 = tpu.memref_squeeze %dma_start3A_236 : memref<1x256xf32, #tpu.memory_space<vmem>> -> memref<256xf32, #tpu.memory_space<vmem>>
    %dma_start3A_238 = tpu.memref_slice %arg4[%add3A_234, %mul3A_34] : memref<32768x1024xf32, #tpu.memory_space<hbm>> -> memref<1x256xf32, #tpu.memory_space<hbm>>
    %dma_start3A_239 = tpu.memref_squeeze %dma_start3A_238 : memref<1x256xf32, #tpu.memory_space<hbm>> -> memref<256xf32, #tpu.memory_space<hbm>>
    %dma_start3A_240 = tpu.memref_slice %arg4[%add3A_234, %mul3A_34] : memref<32768x1024xf32, #tpu.memory_space<hbm>> -> memref<1x256xf32, #tpu.memory_space<hbm>>
    %dma_start3A_241 = tpu.memref_squeeze %dma_start3A_240 : memref<1x256xf32, #tpu.memory_space<hbm>> -> memref<256xf32, #tpu.memory_space<hbm>>
    %dma_start3A_242 = arith.constant 0 : i32
    %dma_start3A_243 = tpu.memref_slice %arg6[%squeeze3A_230, %dma_start3A_242] : memref<256x256xf32, #tpu.memory_space<vmem>> -> memref<1x256xf32, #tpu.memory_space<vmem>>
    %dma_start3A_244 = tpu.memref_squeeze %dma_start3A_243 : memref<1x256xf32, #tpu.memory_space<vmem>> -> memref<256xf32, #tpu.memory_space<vmem>>
    tpu.enqueue_dma source(%dma_start3A_244 : memref<256xf32, #tpu.memory_space<vmem>>) target(%dma_start3A_241 : memref<256xf32, #tpu.memory_space<hbm>>) target_semaphore(%arg10 : memref<!tpu.dma_semaphore, #tpu.memory_space<semaphore_mem>>)
    %slice3A_245 = vector.extract_strided_slice %get3A_54 {offsets = [12], sizes = [1], strides = [1]} : vector<16xi32> to vector<1xi32>
    %squeeze3A_246 = vector.extract %slice3A_245[0] : i32 from vector<1xi32>
    %add3A_247 = arith.constant 0 : i32
    %add3A_248 = arith.addi %mul3A_32, %add3A_247 : i32
    %add3A_249 = arith.constant 12 : i32
    %add3A_250 = arith.addi %add3A_248, %add3A_249 : i32
    %dma_start3A_251 = arith.constant 0 : i32
    %dma_start3A_252 = tpu.memref_slice %arg6[%squeeze3A_246, %dma_start3A_251] : memref<256x256xf32, #tpu.memory_space<vmem>> -> memref<1x256xf32, #tpu.memory_space<vmem>>
    %dma_start3A_253 = tpu.memref_squeeze %dma_start3A_252 : memref<1x256xf32, #tpu.memory_space<vmem>> -> memref<256xf32, #tpu.memory_space<vmem>>
    %dma_start3A_254 = tpu.memref_slice %arg4[%add3A_250, %mul3A_34] : memref<32768x1024xf32, #tpu.memory_space<hbm>> -> memref<1x256xf32, #tpu.memory_space<hbm>>
    %dma_start3A_255 = tpu.memref_squeeze %dma_start3A_254 : memref<1x256xf32, #tpu.memory_space<hbm>> -> memref<256xf32, #tpu.memory_space<hbm>>
    %dma_start3A_256 = tpu.memref_slice %arg4[%add3A_250, %mul3A_34] : memref<32768x1024xf32, #tpu.memory_space<hbm>> -> memref<1x256xf32, #tpu.memory_space<hbm>>
    %dma_start3A_257 = tpu.memref_squeeze %dma_start3A_256 : memref<1x256xf32, #tpu.memory_space<hbm>> -> memref<256xf32, #tpu.memory_space<hbm>>
    %dma_start3A_258 = arith.constant 0 : i32
    %dma_start3A_259 = tpu.memref_slice %arg6[%squeeze3A_246, %dma_start3A_258] : memref<256x256xf32, #tpu.memory_space<vmem>> -> memref<1x256xf32, #tpu.memory_space<vmem>>
    %dma_start3A_260 = tpu.memref_squeeze %dma_start3A_259 : memref<1x256xf32, #tpu.memory_space<vmem>> -> memref<256xf32, #tpu.memory_space<vmem>>
    tpu.enqueue_dma source(%dma_start3A_260 : memref<256xf32, #tpu.memory_space<vmem>>) target(%dma_start3A_257 : memref<256xf32, #tpu.memory_space<hbm>>) target_semaphore(%arg10 : memref<!tpu.dma_semaphore, #tpu.memory_space<semaphore_mem>>)
    %slice3A_261 = vector.extract_strided_slice %get3A_54 {offsets = [13], sizes = [1], strides = [1]} : vector<16xi32> to vector<1xi32>
    %squeeze3A_262 = vector.extract %slice3A_261[0] : i32 from vector<1xi32>
    %add3A_263 = arith.constant 0 : i32
    %add3A_264 = arith.addi %mul3A_32, %add3A_263 : i32
    %add3A_265 = arith.constant 13 : i32
    %add3A_266 = arith.addi %add3A_264, %add3A_265 : i32
    %dma_start3A_267 = arith.constant 0 : i32
    %dma_start3A_268 = tpu.memref_slice %arg6[%squeeze3A_262, %dma_start3A_267] : memref<256x256xf32, #tpu.memory_space<vmem>> -> memref<1x256xf32, #tpu.memory_space<vmem>>
    %dma_start3A_269 = tpu.memref_squeeze %dma_start3A_268 : memref<1x256xf32, #tpu.memory_space<vmem>> -> memref<256xf32, #tpu.memory_space<vmem>>
    %dma_start3A_270 = tpu.memref_slice %arg4[%add3A_266, %mul3A_34] : memref<32768x1024xf32, #tpu.memory_space<hbm>> -> memref<1x256xf32, #tpu.memory_space<hbm>>
    %dma_start3A_271 = tpu.memref_squeeze %dma_start3A_270 : memref<1x256xf32, #tpu.memory_space<hbm>> -> memref<256xf32, #tpu.memory_space<hbm>>
    %dma_start3A_272 = tpu.memref_slice %arg4[%add3A_266, %mul3A_34] : memref<32768x1024xf32, #tpu.memory_space<hbm>> -> memref<1x256xf32, #tpu.memory_space<hbm>>
    %dma_start3A_273 = tpu.memref_squeeze %dma_start3A_272 : memref<1x256xf32, #tpu.memory_space<hbm>> -> memref<256xf32, #tpu.memory_space<hbm>>
    %dma_start3A_274 = arith.constant 0 : i32
    %dma_start3A_275 = tpu.memref_slice %arg6[%squeeze3A_262, %dma_start3A_274] : memref<256x256xf32, #tpu.memory_space<vmem>> -> memref<1x256xf32, #tpu.memory_space<vmem>>
    %dma_start3A_276 = tpu.memref_squeeze %dma_start3A_275 : memref<1x256xf32, #tpu.memory_space<vmem>> -> memref<256xf32, #tpu.memory_space<vmem>>
    tpu.enqueue_dma source(%dma_start3A_276 : memref<256xf32, #tpu.memory_space<vmem>>) target(%dma_start3A_273 : memref<256xf32, #tpu.memory_space<hbm>>) target_semaphore(%arg10 : memref<!tpu.dma_semaphore, #tpu.memory_space<semaphore_mem>>)
    %slice3A_277 = vector.extract_strided_slice %get3A_54 {offsets = [14], sizes = [1], strides = [1]} : vector<16xi32> to vector<1xi32>
    %squeeze3A_278 = vector.extract %slice3A_277[0] : i32 from vector<1xi32>
    %add3A_279 = arith.constant 0 : i32
    %add3A_280 = arith.addi %mul3A_32, %add3A_279 : i32
    %add3A_281 = arith.constant 14 : i32
    %add3A_282 = arith.addi %add3A_280, %add3A_281 : i32
    %dma_start3A_283 = arith.constant 0 : i32
    %dma_start3A_284 = tpu.memref_slice %arg6[%squeeze3A_278, %dma_start3A_283] : memref<256x256xf32, #tpu.memory_space<vmem>> -> memref<1x256xf32, #tpu.memory_space<vmem>>
    %dma_start3A_285 = tpu.memref_squeeze %dma_start3A_284 : memref<1x256xf32, #tpu.memory_space<vmem>> -> memref<256xf32, #tpu.memory_space<vmem>>
    %dma_start3A_286 = tpu.memref_slice %arg4[%add3A_282, %mul3A_34] : memref<32768x1024xf32, #tpu.memory_space<hbm>> -> memref<1x256xf32, #tpu.memory_space<hbm>>
    %dma_start3A_287 = tpu.memref_squeeze %dma_start3A_286 : memref<1x256xf32, #tpu.memory_space<hbm>> -> memref<256xf32, #tpu.memory_space<hbm>>
    %dma_start3A_288 = tpu.memref_slice %arg4[%add3A_282, %mul3A_34] : memref<32768x1024xf32, #tpu.memory_space<hbm>> -> memref<1x256xf32, #tpu.memory_space<hbm>>
    %dma_start3A_289 = tpu.memref_squeeze %dma_start3A_288 : memref<1x256xf32, #tpu.memory_space<hbm>> -> memref<256xf32, #tpu.memory_space<hbm>>
    %dma_start3A_290 = arith.constant 0 : i32
    %dma_start3A_291 = tpu.memref_slice %arg6[%squeeze3A_278, %dma_start3A_290] : memref<256x256xf32, #tpu.memory_space<vmem>> -> memref<1x256xf32, #tpu.memory_space<vmem>>
    %dma_start3A_292 = tpu.memref_squeeze %dma_start3A_291 : memref<1x256xf32, #tpu.memory_space<vmem>> -> memref<256xf32, #tpu.memory_space<vmem>>
    tpu.enqueue_dma source(%dma_start3A_292 : memref<256xf32, #tpu.memory_space<vmem>>) target(%dma_start3A_289 : memref<256xf32, #tpu.memory_space<hbm>>) target_semaphore(%arg10 : memref<!tpu.dma_semaphore, #tpu.memory_space<semaphore_mem>>)
    %slice3A_293 = vector.extract_strided_slice %get3A_54 {offsets = [15], sizes = [1], strides = [1]} : vector<16xi32> to vector<1xi32>
    %squeeze3A_294 = vector.extract %slice3A_293[0] : i32 from vector<1xi32>
    %add3A_295 = arith.constant 0 : i32
    %add3A_296 = arith.addi %mul3A_32, %add3A_295 : i32
    %add3A_297 = arith.constant 15 : i32
    %add3A_298 = arith.addi %add3A_296, %add3A_297 : i32
    %dma_start3A_299 = arith.constant 0 : i32
    %dma_start3A_300 = tpu.memref_slice %arg6[%squeeze3A_294, %dma_start3A_299] : memref<256x256xf32, #tpu.memory_space<vmem>> -> memref<1x256xf32, #tpu.memory_space<vmem>>
    %dma_start3A_301 = tpu.memref_squeeze %dma_start3A_300 : memref<1x256xf32, #tpu.memory_space<vmem>> -> memref<256xf32, #tpu.memory_space<vmem>>
    %dma_start3A_302 = tpu.memref_slice %arg4[%add3A_298, %mul3A_34] : memref<32768x1024xf32, #tpu.memory_space<hbm>> -> memref<1x256xf32, #tpu.memory_space<hbm>>
    %dma_start3A_303 = tpu.memref_squeeze %dma_start3A_302 : memref<1x256xf32, #tpu.memory_space<hbm>> -> memref<256xf32, #tpu.memory_space<hbm>>
    %dma_start3A_304 = tpu.memref_slice %arg4[%add3A_298, %mul3A_34] : memref<32768x1024xf32, #tpu.memory_space<hbm>> -> memref<1x256xf32, #tpu.memory_space<hbm>>
    %dma_start3A_305 = tpu.memref_squeeze %dma_start3A_304 : memref<1x256xf32, #tpu.memory_space<hbm>> -> memref<256xf32, #tpu.memory_space<hbm>>
    %dma_start3A_306 = arith.constant 0 : i32
    %dma_start3A_307 = tpu.memref_slice %arg6[%squeeze3A_294, %dma_start3A_306] : memref<256x256xf32, #tpu.memory_space<vmem>> -> memref<1x256xf32, #tpu.memory_space<vmem>>
    %dma_start3A_308 = tpu.memref_squeeze %dma_start3A_307 : memref<1x256xf32, #tpu.memory_space<vmem>> -> memref<256xf32, #tpu.memory_space<vmem>>
    tpu.enqueue_dma source(%dma_start3A_308 : memref<256xf32, #tpu.memory_space<vmem>>) target(%dma_start3A_305 : memref<256xf32, #tpu.memory_space<hbm>>) target_semaphore(%arg10 : memref<!tpu.dma_semaphore, #tpu.memory_space<semaphore_mem>>)
    %scan3A = arith.constant 0 : i32
    %scan3A_309 = arith.constant 1 : i32
    %scan3A_310 = arith.constant 255 : i32
    %scan3A_311 = arith.addi %scan3A_309, %scan3A_310 : i32
    %scan3A_312 = arith.constant 1 : i32
    scf.for %scan3A_316 = %scan3A_309 to %scan3A_311 step %scan3A_312  : i32 {
      %mul3A_317 = arith.constant 16 : i32
      %mul3A_318 = arith.muli %scan3A_316, %mul3A_317 : i32
      %get3A_319 = arith.index_cast %mul3A_318 : i32 to index
      %get3A_320 = tpu.vector_load %arg5[%get3A_319] {strides = array<i32>} : memref<4096xi32, #tpu.memory_space<vmem>>, vector<16xi32>,
      %get3A_321 = vector.shape_cast %get3A_320 : vector<16xi32> to vector<16xi32>
      %slice3A_322 = vector.extract_strided_slice %get3A_321 {offsets = [0], sizes = [1], strides = [1]} : vector<16xi32> to vector<1xi32>
      %squeeze3A_323 = vector.extract %slice3A_322[0] : i32 from vector<1xi32>
      %mul3A_324 = arith.constant 16 : i32
      %mul3A_325 = arith.muli %scan3A_316, %mul3A_324 : i32
      %add3A_326 = arith.addi %mul3A_32, %mul3A_325 : i32
      %add3A_327 = arith.constant 0 : i32
      %add3A_328 = arith.addi %add3A_326, %add3A_327 : i32
      %dma_start3A_329 = arith.constant 0 : i32
      %dma_start3A_330 = tpu.memref_slice %arg6[%squeeze3A_323, %dma_start3A_329] : memref<256x256xf32, #tpu.memory_space<vmem>> -> memref<1x256xf32, #tpu.memory_space<vmem>>
      %dma_start3A_331 = tpu.memref_squeeze %dma_start3A_330 : memref<1x256xf32, #tpu.memory_space<vmem>> -> memref<256xf32, #tpu.memory_space<vmem>>
      %dma_start3A_332 = tpu.memref_slice %arg4[%add3A_328, %mul3A_34] : memref<32768x1024xf32, #tpu.memory_space<hbm>> -> memref<1x256xf32, #tpu.memory_space<hbm>>
      %dma_start3A_333 = tpu.memref_squeeze %dma_start3A_332 : memref<1x256xf32, #tpu.memory_space<hbm>> -> memref<256xf32, #tpu.memory_space<hbm>>
      %dma_start3A_334 = tpu.memref_slice %arg4[%add3A_328, %mul3A_34] : memref<32768x1024xf32, #tpu.memory_space<hbm>> -> memref<1x256xf32, #tpu.memory_space<hbm>>
      %dma_start3A_335 = tpu.memref_squeeze %dma_start3A_334 : memref<1x256xf32, #tpu.memory_space<hbm>> -> memref<256xf32, #tpu.memory_space<hbm>>
      %dma_start3A_336 = arith.constant 0 : i32
      %dma_start3A_337 = tpu.memref_slice %arg6[%squeeze3A_323, %dma_start3A_336] : memref<256x256xf32, #tpu.memory_space<vmem>> -> memref<1x256xf32, #tpu.memory_space<vmem>>
      %dma_start3A_338 = tpu.memref_squeeze %dma_start3A_337 : memref<1x256xf32, #tpu.memory_space<vmem>> -> memref<256xf32, #tpu.memory_space<vmem>>
      tpu.enqueue_dma source(%dma_start3A_338 : memref<256xf32, #tpu.memory_space<vmem>>) target(%dma_start3A_335 : memref<256xf32, #tpu.memory_space<hbm>>) target_semaphore(%arg10 : memref<!tpu.dma_semaphore, #tpu.memory_space<semaphore_mem>>)
      %slice3A_339 = vector.extract_strided_slice %get3A_321 {offsets = [1], sizes = [1], strides = [1]} : vector<16xi32> to vector<1xi32>
      %squeeze3A_340 = vector.extract %slice3A_339[0] : i32 from vector<1xi32>
      %mul3A_341 = arith.constant 16 : i32
      %mul3A_342 = arith.muli %scan3A_316, %mul3A_341 : i32
      %add3A_343 = arith.addi %mul3A_32, %mul3A_342 : i32
      %add3A_344 = arith.constant 1 : i32
      %add3A_345 = arith.addi %add3A_343, %add3A_344 : i32
      %dma_start3A_346 = arith.constant 0 : i32
      %dma_start3A_347 = tpu.memref_slice %arg6[%squeeze3A_340, %dma_start3A_346] : memref<256x256xf32, #tpu.memory_space<vmem>> -> memref<1x256xf32, #tpu.memory_space<vmem>>
      %dma_start3A_348 = tpu.memref_squeeze %dma_start3A_347 : memref<1x256xf32, #tpu.memory_space<vmem>> -> memref<256xf32, #tpu.memory_space<vmem>>
      %dma_start3A_349 = tpu.memref_slice %arg4[%add3A_345, %mul3A_34] : memref<32768x1024xf32, #tpu.memory_space<hbm>> -> memref<1x256xf32, #tpu.memory_space<hbm>>
      %dma_start3A_350 = tpu.memref_squeeze %dma_start3A_349 : memref<1x256xf32, #tpu.memory_space<hbm>> -> memref<256xf32, #tpu.memory_space<hbm>>
      %dma_start3A_351 = tpu.memref_slice %arg4[%add3A_345, %mul3A_34] : memref<32768x1024xf32, #tpu.memory_space<hbm>> -> memref<1x256xf32, #tpu.memory_space<hbm>>
      %dma_start3A_352 = tpu.memref_squeeze %dma_start3A_351 : memref<1x256xf32, #tpu.memory_space<hbm>> -> memref<256xf32, #tpu.memory_space<hbm>>
      %dma_start3A_353 = arith.constant 0 : i32
      %dma_start3A_354 = tpu.memref_slice %arg6[%squeeze3A_340, %dma_start3A_353] : memref<256x256xf32, #tpu.memory_space<vmem>> -> memref<1x256xf32, #tpu.memory_space<vmem>>
      %dma_start3A_355 = tpu.memref_squeeze %dma_start3A_354 : memref<1x256xf32, #tpu.memory_space<vmem>> -> memref<256xf32, #tpu.memory_space<vmem>>
      tpu.enqueue_dma source(%dma_start3A_355 : memref<256xf32, #tpu.memory_space<vmem>>) target(%dma_start3A_352 : memref<256xf32, #tpu.memory_space<hbm>>) target_semaphore(%arg10 : memref<!tpu.dma_semaphore, #tpu.memory_space<semaphore_mem>>)
      %slice3A_356 = vector.extract_strided_slice %get3A_321 {offsets = [2], sizes = [1], strides = [1]} : vector<16xi32> to vector<1xi32>
      %squeeze3A_357 = vector.extract %slice3A_356[0] : i32 from vector<1xi32>
      %mul3A_358 = arith.constant 16 : i32
      %mul3A_359 = arith.muli %scan3A_316, %mul3A_358 : i32
      %add3A_360 = arith.addi %mul3A_32, %mul3A_359 : i32
      %add3A_361 = arith.constant 2 : i32
      %add3A_362 = arith.addi %add3A_360, %add3A_361 : i32
      %dma_start3A_363 = arith.constant 0 : i32
      %dma_start3A_364 = tpu.memref_slice %arg6[%squeeze3A_357, %dma_start3A_363] : memref<256x256xf32, #tpu.memory_space<vmem>> -> memref<1x256xf32, #tpu.memory_space<vmem>>
      %dma_start3A_365 = tpu.memref_squeeze %dma_start3A_364 : memref<1x256xf32, #tpu.memory_space<vmem>> -> memref<256xf32, #tpu.memory_space<vmem>>
      %dma_start3A_366 = tpu.memref_slice %arg4[%add3A_362, %mul3A_34] : memref<32768x1024xf32, #tpu.memory_space<hbm>> -> memref<1x256xf32, #tpu.memory_space<hbm>>
      %dma_start3A_367 = tpu.memref_squeeze %dma_start3A_366 : memref<1x256xf32, #tpu.memory_space<hbm>> -> memref<256xf32, #tpu.memory_space<hbm>>
      %dma_start3A_368 = tpu.memref_slice %arg4[%add3A_362, %mul3A_34] : memref<32768x1024xf32, #tpu.memory_space<hbm>> -> memref<1x256xf32, #tpu.memory_space<hbm>>
      %dma_start3A_369 = tpu.memref_squeeze %dma_start3A_368 : memref<1x256xf32, #tpu.memory_space<hbm>> -> memref<256xf32, #tpu.memory_space<hbm>>
      %dma_start3A_370 = arith.constant 0 : i32
      %dma_start3A_371 = tpu.memref_slice %arg6[%squeeze3A_357, %dma_start3A_370] : memref<256x256xf32, #tpu.memory_space<vmem>> -> memref<1x256xf32, #tpu.memory_space<vmem>>
      %dma_start3A_372 = tpu.memref_squeeze %dma_start3A_371 : memref<1x256xf32, #tpu.memory_space<vmem>> -> memref<256xf32, #tpu.memory_space<vmem>>
      tpu.enqueue_dma source(%dma_start3A_372 : memref<256xf32, #tpu.memory_space<vmem>>) target(%dma_start3A_369 : memref<256xf32, #tpu.memory_space<hbm>>) target_semaphore(%arg10 : memref<!tpu.dma_semaphore, #tpu.memory_space<semaphore_mem>>)
      %slice3A_373 = vector.extract_strided_slice %get3A_321 {offsets = [3], sizes = [1], strides = [1]} : vector<16xi32> to vector<1xi32>
      %squeeze3A_374 = vector.extract %slice3A_373[0] : i32 from vector<1xi32>
      %mul3A_375 = arith.constant 16 : i32
      %mul3A_376 = arith.muli %scan3A_316, %mul3A_375 : i32
      %add3A_377 = arith.addi %mul3A_32, %mul3A_376 : i32
      %add3A_378 = arith.constant 3 : i32
      %add3A_379 = arith.addi %add3A_377, %add3A_378 : i32
      %dma_start3A_380 = arith.constant 0 : i32
      %dma_start3A_381 = tpu.memref_slice %arg6[%squeeze3A_374, %dma_start3A_380] : memref<256x256xf32, #tpu.memory_space<vmem>> -> memref<1x256xf32, #tpu.memory_space<vmem>>
      %dma_start3A_382 = tpu.memref_squeeze %dma_start3A_381 : memref<1x256xf32, #tpu.memory_space<vmem>> -> memref<256xf32, #tpu.memory_space<vmem>>
      %dma_start3A_383 = tpu.memref_slice %arg4[%add3A_379, %mul3A_34] : memref<32768x1024xf32, #tpu.memory_space<hbm>> -> memref<1x256xf32, #tpu.memory_space<hbm>>
      %dma_start3A_384 = tpu.memref_squeeze %dma_start3A_383 : memref<1x256xf32, #tpu.memory_space<hbm>> -> memref<256xf32, #tpu.memory_space<hbm>>
      %dma_start3A_385 = tpu.memref_slice %arg4[%add3A_379, %mul3A_34] : memref<32768x1024xf32, #tpu.memory_space<hbm>> -> memref<1x256xf32, #tpu.memory_space<hbm>>
      %dma_start3A_386 = tpu.memref_squeeze %dma_start3A_385 : memref<1x256xf32, #tpu.memory_space<hbm>> -> memref<256xf32, #tpu.memory_space<hbm>>
      %dma_start3A_387 = arith.constant 0 : i32
      %dma_start3A_388 = tpu.memref_slice %arg6[%squeeze3A_374, %dma_start3A_387] : memref<256x256xf32, #tpu.memory_space<vmem>> -> memref<1x256xf32, #tpu.memory_space<vmem>>
      %dma_start3A_389 = tpu.memref_squeeze %dma_start3A_388 : memref<1x256xf32, #tpu.memory_space<vmem>> -> memref<256xf32, #tpu.memory_space<vmem>>
      tpu.enqueue_dma source(%dma_start3A_389 : memref<256xf32, #tpu.memory_space<vmem>>) target(%dma_start3A_386 : memref<256xf32, #tpu.memory_space<hbm>>) target_semaphore(%arg10 : memref<!tpu.dma_semaphore, #tpu.memory_space<semaphore_mem>>)
      %slice3A_390 = vector.extract_strided_slice %get3A_321 {offsets = [4], sizes = [1], strides = [1]} : vector<16xi32> to vector<1xi32>
      %squeeze3A_391 = vector.extract %slice3A_390[0] : i32 from vector<1xi32>
      %mul3A_392 = arith.constant 16 : i32
      %mul3A_393 = arith.muli %scan3A_316, %mul3A_392 : i32
      %add3A_394 = arith.addi %mul3A_32, %mul3A_393 : i32
      %add3A_395 = arith.constant 4 : i32
      %add3A_396 = arith.addi %add3A_394, %add3A_395 : i32
      %dma_start3A_397 = arith.constant 0 : i32
      %dma_start3A_398 = tpu.memref_slice %arg6[%squeeze3A_391, %dma_start3A_397] : memref<256x256xf32, #tpu.memory_space<vmem>> -> memref<1x256xf32, #tpu.memory_space<vmem>>
      %dma_start3A_399 = tpu.memref_squeeze %dma_start3A_398 : memref<1x256xf32, #tpu.memory_space<vmem>> -> memref<256xf32, #tpu.memory_space<vmem>>
      %dma_start3A_400 = tpu.memref_slice %arg4[%add3A_396, %mul3A_34] : memref<32768x1024xf32, #tpu.memory_space<hbm>> -> memref<1x256xf32, #tpu.memory_space<hbm>>
      %dma_start3A_401 = tpu.memref_squeeze %dma_start3A_400 : memref<1x256xf32, #tpu.memory_space<hbm>> -> memref<256xf32, #tpu.memory_space<hbm>>
      %dma_start3A_402 = tpu.memref_slice %arg4[%add3A_396, %mul3A_34] : memref<32768x1024xf32, #tpu.memory_space<hbm>> -> memref<1x256xf32, #tpu.memory_space<hbm>>
      %dma_start3A_403 = tpu.memref_squeeze %dma_start3A_402 : memref<1x256xf32, #tpu.memory_space<hbm>> -> memref<256xf32, #tpu.memory_space<hbm>>
      %dma_start3A_404 = arith.constant 0 : i32
      %dma_start3A_405 = tpu.memref_slice %arg6[%squeeze3A_391, %dma_start3A_404] : memref<256x256xf32, #tpu.memory_space<vmem>> -> memref<1x256xf32, #tpu.memory_space<vmem>>
      %dma_start3A_406 = tpu.memref_squeeze %dma_start3A_405 : memref<1x256xf32, #tpu.memory_space<vmem>> -> memref<256xf32, #tpu.memory_space<vmem>>
      tpu.enqueue_dma source(%dma_start3A_406 : memref<256xf32, #tpu.memory_space<vmem>>) target(%dma_start3A_403 : memref<256xf32, #tpu.memory_space<hbm>>) target_semaphore(%arg10 : memref<!tpu.dma_semaphore, #tpu.memory_space<semaphore_mem>>)
      %slice3A_407 = vector.extract_strided_slice %get3A_321 {offsets = [5], sizes = [1], strides = [1]} : vector<16xi32> to vector<1xi32>
      %squeeze3A_408 = vector.extract %slice3A_407[0] : i32 from vector<1xi32>
      %mul3A_409 = arith.constant 16 : i32
      %mul3A_410 = arith.muli %scan3A_316, %mul3A_409 : i32
      %add3A_411 = arith.addi %mul3A_32, %mul3A_410 : i32
      %add3A_412 = arith.constant 5 : i32
      %add3A_413 = arith.addi %add3A_411, %add3A_412 : i32
      %dma_start3A_414 = arith.constant 0 : i32
      %dma_start3A_415 = tpu.memref_slice %arg6[%squeeze3A_408, %dma_start3A_414] : memref<256x256xf32, #tpu.memory_space<vmem>> -> memref<1x256xf32, #tpu.memory_space<vmem>>
      %dma_start3A_416 = tpu.memref_squeeze %dma_start3A_415 : memref<1x256xf32, #tpu.memory_space<vmem>> -> memref<256xf32, #tpu.memory_space<vmem>>
      %dma_start3A_417 = tpu.memref_slice %arg4[%add3A_413, %mul3A_34] : memref<32768x1024xf32, #tpu.memory_space<hbm>> -> memref<1x256xf32, #tpu.memory_space<hbm>>
      %dma_start3A_418 = tpu.memref_squeeze %dma_start3A_417 : memref<1x256xf32, #tpu.memory_space<hbm>> -> memref<256xf32, #tpu.memory_space<hbm>>
      %dma_start3A_419 = tpu.memref_slice %arg4[%add3A_413, %mul3A_34] : memref<32768x1024xf32, #tpu.memory_space<hbm>> -> memref<1x256xf32, #tpu.memory_space<hbm>>
      %dma_start3A_420 = tpu.memref_squeeze %dma_start3A_419 : memref<1x256xf32, #tpu.memory_space<hbm>> -> memref<256xf32, #tpu.memory_space<hbm>>
      %dma_start3A_421 = arith.constant 0 : i32
      %dma_start3A_422 = tpu.memref_slice %arg6[%squeeze3A_408, %dma_start3A_421] : memref<256x256xf32, #tpu.memory_space<vmem>> -> memref<1x256xf32, #tpu.memory_space<vmem>>
      %dma_start3A_423 = tpu.memref_squeeze %dma_start3A_422 : memref<1x256xf32, #tpu.memory_space<vmem>> -> memref<256xf32, #tpu.memory_space<vmem>>
      tpu.enqueue_dma source(%dma_start3A_423 : memref<256xf32, #tpu.memory_space<vmem>>) target(%dma_start3A_420 : memref<256xf32, #tpu.memory_space<hbm>>) target_semaphore(%arg10 : memref<!tpu.dma_semaphore, #tpu.memory_space<semaphore_mem>>)
      %slice3A_424 = vector.extract_strided_slice %get3A_321 {offsets = [6], sizes = [1], strides = [1]} : vector<16xi32> to vector<1xi32>
      %squeeze3A_425 = vector.extract %slice3A_424[0] : i32 from vector<1xi32>
      %mul3A_426 = arith.constant 16 : i32
      %mul3A_427 = arith.muli %scan3A_316, %mul3A_426 : i32
      %add3A_428 = arith.addi %mul3A_32, %mul3A_427 : i32
      %add3A_429 = arith.constant 6 : i32
      %add3A_430 = arith.addi %add3A_428, %add3A_429 : i32
      %dma_start3A_431 = arith.constant 0 : i32
      %dma_start3A_432 = tpu.memref_slice %arg6[%squeeze3A_425, %dma_start3A_431] : memref<256x256xf32, #tpu.memory_space<vmem>> -> memref<1x256xf32, #tpu.memory_space<vmem>>
      %dma_start3A_433 = tpu.memref_squeeze %dma_start3A_432 : memref<1x256xf32, #tpu.memory_space<vmem>> -> memref<256xf32, #tpu.memory_space<vmem>>
      %dma_start3A_434 = tpu.memref_slice %arg4[%add3A_430, %mul3A_34] : memref<32768x1024xf32, #tpu.memory_space<hbm>> -> memref<1x256xf32, #tpu.memory_space<hbm>>
      %dma_start3A_435 = tpu.memref_squeeze %dma_start3A_434 : memref<1x256xf32, #tpu.memory_space<hbm>> -> memref<256xf32, #tpu.memory_space<hbm>>
      %dma_start3A_436 = tpu.memref_slice %arg4[%add3A_430, %mul3A_34] : memref<32768x1024xf32, #tpu.memory_space<hbm>> -> memref<1x256xf32, #tpu.memory_space<hbm>>
      %dma_start3A_437 = tpu.memref_squeeze %dma_start3A_436 : memref<1x256xf32, #tpu.memory_space<hbm>> -> memref<256xf32, #tpu.memory_space<hbm>>
      %dma_start3A_438 = arith.constant 0 : i32
      %dma_start3A_439 = tpu.memref_slice %arg6[%squeeze3A_425, %dma_start3A_438] : memref<256x256xf32, #tpu.memory_space<vmem>> -> memref<1x256xf32, #tpu.memory_space<vmem>>
      %dma_start3A_440 = tpu.memref_squeeze %dma_start3A_439 : memref<1x256xf32, #tpu.memory_space<vmem>> -> memref<256xf32, #tpu.memory_space<vmem>>
      tpu.enqueue_dma source(%dma_start3A_440 : memref<256xf32, #tpu.memory_space<vmem>>) target(%dma_start3A_437 : memref<256xf32, #tpu.memory_space<hbm>>) target_semaphore(%arg10 : memref<!tpu.dma_semaphore, #tpu.memory_space<semaphore_mem>>)
      %slice3A_441 = vector.extract_strided_slice %get3A_321 {offsets = [7], sizes = [1], strides = [1]} : vector<16xi32> to vector<1xi32>
      %squeeze3A_442 = vector.extract %slice3A_441[0] : i32 from vector<1xi32>
      %mul3A_443 = arith.constant 16 : i32
      %mul3A_444 = arith.muli %scan3A_316, %mul3A_443 : i32
      %add3A_445 = arith.addi %mul3A_32, %mul3A_444 : i32
      %add3A_446 = arith.constant 7 : i32
      %add3A_447 = arith.addi %add3A_445, %add3A_446 : i32
      %dma_start3A_448 = arith.constant 0 : i32
      %dma_start3A_449 = tpu.memref_slice %arg6[%squeeze3A_442, %dma_start3A_448] : memref<256x256xf32, #tpu.memory_space<vmem>> -> memref<1x256xf32, #tpu.memory_space<vmem>>
      %dma_start3A_450 = tpu.memref_squeeze %dma_start3A_449 : memref<1x256xf32, #tpu.memory_space<vmem>> -> memref<256xf32, #tpu.memory_space<vmem>>
      %dma_start3A_451 = tpu.memref_slice %arg4[%add3A_447, %mul3A_34] : memref<32768x1024xf32, #tpu.memory_space<hbm>> -> memref<1x256xf32, #tpu.memory_space<hbm>>
      %dma_start3A_452 = tpu.memref_squeeze %dma_start3A_451 : memref<1x256xf32, #tpu.memory_space<hbm>> -> memref<256xf32, #tpu.memory_space<hbm>>
      %dma_start3A_453 = tpu.memref_slice %arg4[%add3A_447, %mul3A_34] : memref<32768x1024xf32, #tpu.memory_space<hbm>> -> memref<1x256xf32, #tpu.memory_space<hbm>>
      %dma_start3A_454 = tpu.memref_squeeze %dma_start3A_453 : memref<1x256xf32, #tpu.memory_space<hbm>> -> memref<256xf32, #tpu.memory_space<hbm>>
      %dma_start3A_455 = arith.constant 0 : i32
      %dma_start3A_456 = tpu.memref_slice %arg6[%squeeze3A_442, %dma_start3A_455] : memref<256x256xf32, #tpu.memory_space<vmem>> -> memref<1x256xf32, #tpu.memory_space<vmem>>
      %dma_start3A_457 = tpu.memref_squeeze %dma_start3A_456 : memref<1x256xf32, #tpu.memory_space<vmem>> -> memref<256xf32, #tpu.memory_space<vmem>>
      tpu.enqueue_dma source(%dma_start3A_457 : memref<256xf32, #tpu.memory_space<vmem>>) target(%dma_start3A_454 : memref<256xf32, #tpu.memory_space<hbm>>) target_semaphore(%arg10 : memref<!tpu.dma_semaphore, #tpu.memory_space<semaphore_mem>>)
      %slice3A_458 = vector.extract_strided_slice %get3A_321 {offsets = [8], sizes = [1], strides = [1]} : vector<16xi32> to vector<1xi32>
      %squeeze3A_459 = vector.extract %slice3A_458[0] : i32 from vector<1xi32>
      %mul3A_460 = arith.constant 16 : i32
      %mul3A_461 = arith.muli %scan3A_316, %mul3A_460 : i32
      %add3A_462 = arith.addi %mul3A_32, %mul3A_461 : i32
      %add3A_463 = arith.constant 8 : i32
      %add3A_464 = arith.addi %add3A_462, %add3A_463 : i32
      %dma_start3A_465 = arith.constant 0 : i32
      %dma_start3A_466 = tpu.memref_slice %arg6[%squeeze3A_459, %dma_start3A_465] : memref<256x256xf32, #tpu.memory_space<vmem>> -> memref<1x256xf32, #tpu.memory_space<vmem>>
      %dma_start3A_467 = tpu.memref_squeeze %dma_start3A_466 : memref<1x256xf32, #tpu.memory_space<vmem>> -> memref<256xf32, #tpu.memory_space<vmem>>
      %dma_start3A_468 = tpu.memref_slice %arg4[%add3A_464, %mul3A_34] : memref<32768x1024xf32, #tpu.memory_space<hbm>> -> memref<1x256xf32, #tpu.memory_space<hbm>>
      %dma_start3A_469 = tpu.memref_squeeze %dma_start3A_468 : memref<1x256xf32, #tpu.memory_space<hbm>> -> memref<256xf32, #tpu.memory_space<hbm>>
      %dma_start3A_470 = tpu.memref_slice %arg4[%add3A_464, %mul3A_34] : memref<32768x1024xf32, #tpu.memory_space<hbm>> -> memref<1x256xf32, #tpu.memory_space<hbm>>
      %dma_start3A_471 = tpu.memref_squeeze %dma_start3A_470 : memref<1x256xf32, #tpu.memory_space<hbm>> -> memref<256xf32, #tpu.memory_space<hbm>>
      %dma_start3A_472 = arith.constant 0 : i32
      %dma_start3A_473 = tpu.memref_slice %arg6[%squeeze3A_459, %dma_start3A_472] : memref<256x256xf32, #tpu.memory_space<vmem>> -> memref<1x256xf32, #tpu.memory_space<vmem>>
      %dma_start3A_474 = tpu.memref_squeeze %dma_start3A_473 : memref<1x256xf32, #tpu.memory_space<vmem>> -> memref<256xf32, #tpu.memory_space<vmem>>
      tpu.enqueue_dma source(%dma_start3A_474 : memref<256xf32, #tpu.memory_space<vmem>>) target(%dma_start3A_471 : memref<256xf32, #tpu.memory_space<hbm>>) target_semaphore(%arg10 : memref<!tpu.dma_semaphore, #tpu.memory_space<semaphore_mem>>)
      %slice3A_475 = vector.extract_strided_slice %get3A_321 {offsets = [9], sizes = [1], strides = [1]} : vector<16xi32> to vector<1xi32>
      %squeeze3A_476 = vector.extract %slice3A_475[0] : i32 from vector<1xi32>
      %mul3A_477 = arith.constant 16 : i32
      %mul3A_478 = arith.muli %scan3A_316, %mul3A_477 : i32
      %add3A_479 = arith.addi %mul3A_32, %mul3A_478 : i32
      %add3A_480 = arith.constant 9 : i32
      %add3A_481 = arith.addi %add3A_479, %add3A_480 : i32
      %dma_start3A_482 = arith.constant 0 : i32
      %dma_start3A_483 = tpu.memref_slice %arg6[%squeeze3A_476, %dma_start3A_482] : memref<256x256xf32, #tpu.memory_space<vmem>> -> memref<1x256xf32, #tpu.memory_space<vmem>>
      %dma_start3A_484 = tpu.memref_squeeze %dma_start3A_483 : memref<1x256xf32, #tpu.memory_space<vmem>> -> memref<256xf32, #tpu.memory_space<vmem>>
      %dma_start3A_485 = tpu.memref_slice %arg4[%add3A_481, %mul3A_34] : memref<32768x1024xf32, #tpu.memory_space<hbm>> -> memref<1x256xf32, #tpu.memory_space<hbm>>
      %dma_start3A_486 = tpu.memref_squeeze %dma_start3A_485 : memref<1x256xf32, #tpu.memory_space<hbm>> -> memref<256xf32, #tpu.memory_space<hbm>>
      %dma_start3A_487 = tpu.memref_slice %arg4[%add3A_481, %mul3A_34] : memref<32768x1024xf32, #tpu.memory_space<hbm>> -> memref<1x256xf32, #tpu.memory_space<hbm>>
      %dma_start3A_488 = tpu.memref_squeeze %dma_start3A_487 : memref<1x256xf32, #tpu.memory_space<hbm>> -> memref<256xf32, #tpu.memory_space<hbm>>
      %dma_start3A_489 = arith.constant 0 : i32
      %dma_start3A_490 = tpu.memref_slice %arg6[%squeeze3A_476, %dma_start3A_489] : memref<256x256xf32, #tpu.memory_space<vmem>> -> memref<1x256xf32, #tpu.memory_space<vmem>>
      %dma_start3A_491 = tpu.memref_squeeze %dma_start3A_490 : memref<1x256xf32, #tpu.memory_space<vmem>> -> memref<256xf32, #tpu.memory_space<vmem>>
      tpu.enqueue_dma source(%dma_start3A_491 : memref<256xf32, #tpu.memory_space<vmem>>) target(%dma_start3A_488 : memref<256xf32, #tpu.memory_space<hbm>>) target_semaphore(%arg10 : memref<!tpu.dma_semaphore, #tpu.memory_space<semaphore_mem>>)
      %slice3A_492 = vector.extract_strided_slice %get3A_321 {offsets = [10], sizes = [1], strides = [1]} : vector<16xi32> to vector<1xi32>
      %squeeze3A_493 = vector.extract %slice3A_492[0] : i32 from vector<1xi32>
      %mul3A_494 = arith.constant 16 : i32
      %mul3A_495 = arith.muli %scan3A_316, %mul3A_494 : i32
      %add3A_496 = arith.addi %mul3A_32, %mul3A_495 : i32
      %add3A_497 = arith.constant 10 : i32
      %add3A_498 = arith.addi %add3A_496, %add3A_497 : i32
      %dma_start3A_499 = arith.constant 0 : i32
      %dma_start3A_500 = tpu.memref_slice %arg6[%squeeze3A_493, %dma_start3A_499] : memref<256x256xf32, #tpu.memory_space<vmem>> -> memref<1x256xf32, #tpu.memory_space<vmem>>
      %dma_start3A_501 = tpu.memref_squeeze %dma_start3A_500 : memref<1x256xf32, #tpu.memory_space<vmem>> -> memref<256xf32, #tpu.memory_space<vmem>>
      %dma_start3A_502 = tpu.memref_slice %arg4[%add3A_498, %mul3A_34] : memref<32768x1024xf32, #tpu.memory_space<hbm>> -> memref<1x256xf32, #tpu.memory_space<hbm>>
      %dma_start3A_503 = tpu.memref_squeeze %dma_start3A_502 : memref<1x256xf32, #tpu.memory_space<hbm>> -> memref<256xf32, #tpu.memory_space<hbm>>
      %dma_start3A_504 = tpu.memref_slice %arg4[%add3A_498, %mul3A_34] : memref<32768x1024xf32, #tpu.memory_space<hbm>> -> memref<1x256xf32, #tpu.memory_space<hbm>>
      %dma_start3A_505 = tpu.memref_squeeze %dma_start3A_504 : memref<1x256xf32, #tpu.memory_space<hbm>> -> memref<256xf32, #tpu.memory_space<hbm>>
      %dma_start3A_506 = arith.constant 0 : i32
      %dma_start3A_507 = tpu.memref_slice %arg6[%squeeze3A_493, %dma_start3A_506] : memref<256x256xf32, #tpu.memory_space<vmem>> -> memref<1x256xf32, #tpu.memory_space<vmem>>
      %dma_start3A_508 = tpu.memref_squeeze %dma_start3A_507 : memref<1x256xf32, #tpu.memory_space<vmem>> -> memref<256xf32, #tpu.memory_space<vmem>>
      tpu.enqueue_dma source(%dma_start3A_508 : memref<256xf32, #tpu.memory_space<vmem>>) target(%dma_start3A_505 : memref<256xf32, #tpu.memory_space<hbm>>) target_semaphore(%arg10 : memref<!tpu.dma_semaphore, #tpu.memory_space<semaphore_mem>>)
      %slice3A_509 = vector.extract_strided_slice %get3A_321 {offsets = [11], sizes = [1], strides = [1]} : vector<16xi32> to vector<1xi32>
      %squeeze3A_510 = vector.extract %slice3A_509[0] : i32 from vector<1xi32>
      %mul3A_511 = arith.constant 16 : i32
      %mul3A_512 = arith.muli %scan3A_316, %mul3A_511 : i32
      %add3A_513 = arith.addi %mul3A_32, %mul3A_512 : i32
      %add3A_514 = arith.constant 11 : i32
      %add3A_515 = arith.addi %add3A_513, %add3A_514 : i32
      %dma_start3A_516 = arith.constant 0 : i32
      %dma_start3A_517 = tpu.memref_slice %arg6[%squeeze3A_510, %dma_start3A_516] : memref<256x256xf32, #tpu.memory_space<vmem>> -> memref<1x256xf32, #tpu.memory_space<vmem>>
      %dma_start3A_518 = tpu.memref_squeeze %dma_start3A_517 : memref<1x256xf32, #tpu.memory_space<vmem>> -> memref<256xf32, #tpu.memory_space<vmem>>
      %dma_start3A_519 = tpu.memref_slice %arg4[%add3A_515, %mul3A_34] : memref<32768x1024xf32, #tpu.memory_space<hbm>> -> memref<1x256xf32, #tpu.memory_space<hbm>>
      %dma_start3A_520 = tpu.memref_squeeze %dma_start3A_519 : memref<1x256xf32, #tpu.memory_space<hbm>> -> memref<256xf32, #tpu.memory_space<hbm>>
      %dma_start3A_521 = tpu.memref_slice %arg4[%add3A_515, %mul3A_34] : memref<32768x1024xf32, #tpu.memory_space<hbm>> -> memref<1x256xf32, #tpu.memory_space<hbm>>
      %dma_start3A_522 = tpu.memref_squeeze %dma_start3A_521 : memref<1x256xf32, #tpu.memory_space<hbm>> -> memref<256xf32, #tpu.memory_space<hbm>>
      %dma_start3A_523 = arith.constant 0 : i32
      %dma_start3A_524 = tpu.memref_slice %arg6[%squeeze3A_510, %dma_start3A_523] : memref<256x256xf32, #tpu.memory_space<vmem>> -> memref<1x256xf32, #tpu.memory_space<vmem>>
      %dma_start3A_525 = tpu.memref_squeeze %dma_start3A_524 : memref<1x256xf32, #tpu.memory_space<vmem>> -> memref<256xf32, #tpu.memory_space<vmem>>
      tpu.enqueue_dma source(%dma_start3A_525 : memref<256xf32, #tpu.memory_space<vmem>>) target(%dma_start3A_522 : memref<256xf32, #tpu.memory_space<hbm>>) target_semaphore(%arg10 : memref<!tpu.dma_semaphore, #tpu.memory_space<semaphore_mem>>)
      %slice3A_526 = vector.extract_strided_slice %get3A_321 {offsets = [12], sizes = [1], strides = [1]} : vector<16xi32> to vector<1xi32>
      %squeeze3A_527 = vector.extract %slice3A_526[0] : i32 from vector<1xi32>
      %mul3A_528 = arith.constant 16 : i32
      %mul3A_529 = arith.muli %scan3A_316, %mul3A_528 : i32
      %add3A_530 = arith.addi %mul3A_32, %mul3A_529 : i32
      %add3A_531 = arith.constant 12 : i32
      %add3A_532 = arith.addi %add3A_530, %add3A_531 : i32
      %dma_start3A_533 = arith.constant 0 : i32
      %dma_start3A_534 = tpu.memref_slice %arg6[%squeeze3A_527, %dma_start3A_533] : memref<256x256xf32, #tpu.memory_space<vmem>> -> memref<1x256xf32, #tpu.memory_space<vmem>>
      %dma_start3A_535 = tpu.memref_squeeze %dma_start3A_534 : memref<1x256xf32, #tpu.memory_space<vmem>> -> memref<256xf32, #tpu.memory_space<vmem>>
      %dma_start3A_536 = tpu.memref_slice %arg4[%add3A_532, %mul3A_34] : memref<32768x1024xf32, #tpu.memory_space<hbm>> -> memref<1x256xf32, #tpu.memory_space<hbm>>
      %dma_start3A_537 = tpu.memref_squeeze %dma_start3A_536 : memref<1x256xf32, #tpu.memory_space<hbm>> -> memref<256xf32, #tpu.memory_space<hbm>>
      %dma_start3A_538 = tpu.memref_slice %arg4[%add3A_532, %mul3A_34] : memref<32768x1024xf32, #tpu.memory_space<hbm>> -> memref<1x256xf32, #tpu.memory_space<hbm>>
      %dma_start3A_539 = tpu.memref_squeeze %dma_start3A_538 : memref<1x256xf32, #tpu.memory_space<hbm>> -> memref<256xf32, #tpu.memory_space<hbm>>
      %dma_start3A_540 = arith.constant 0 : i32
      %dma_start3A_541 = tpu.memref_slice %arg6[%squeeze3A_527, %dma_start3A_540] : memref<256x256xf32, #tpu.memory_space<vmem>> -> memref<1x256xf32, #tpu.memory_space<vmem>>
      %dma_start3A_542 = tpu.memref_squeeze %dma_start3A_541 : memref<1x256xf32, #tpu.memory_space<vmem>> -> memref<256xf32, #tpu.memory_space<vmem>>
      tpu.enqueue_dma source(%dma_start3A_542 : memref<256xf32, #tpu.memory_space<vmem>>) target(%dma_start3A_539 : memref<256xf32, #tpu.memory_space<hbm>>) target_semaphore(%arg10 : memref<!tpu.dma_semaphore, #tpu.memory_space<semaphore_mem>>)
      %slice3A_543 = vector.extract_strided_slice %get3A_321 {offsets = [13], sizes = [1], strides = [1]} : vector<16xi32> to vector<1xi32>
      %squeeze3A_544 = vector.extract %slice3A_543[0] : i32 from vector<1xi32>
      %mul3A_545 = arith.constant 16 : i32
      %mul3A_546 = arith.muli %scan3A_316, %mul3A_545 : i32
      %add3A_547 = arith.addi %mul3A_32, %mul3A_546 : i32
      %add3A_548 = arith.constant 13 : i32
      %add3A_549 = arith.addi %add3A_547, %add3A_548 : i32
      %dma_start3A_550 = arith.constant 0 : i32
      %dma_start3A_551 = tpu.memref_slice %arg6[%squeeze3A_544, %dma_start3A_550] : memref<256x256xf32, #tpu.memory_space<vmem>> -> memref<1x256xf32, #tpu.memory_space<vmem>>
      %dma_start3A_552 = tpu.memref_squeeze %dma_start3A_551 : memref<1x256xf32, #tpu.memory_space<vmem>> -> memref<256xf32, #tpu.memory_space<vmem>>
      %dma_start3A_553 = tpu.memref_slice %arg4[%add3A_549, %mul3A_34] : memref<32768x1024xf32, #tpu.memory_space<hbm>> -> memref<1x256xf32, #tpu.memory_space<hbm>>
      %dma_start3A_554 = tpu.memref_squeeze %dma_start3A_553 : memref<1x256xf32, #tpu.memory_space<hbm>> -> memref<256xf32, #tpu.memory_space<hbm>>
      %dma_start3A_555 = tpu.memref_slice %arg4[%add3A_549, %mul3A_34] : memref<32768x1024xf32, #tpu.memory_space<hbm>> -> memref<1x256xf32, #tpu.memory_space<hbm>>
      %dma_start3A_556 = tpu.memref_squeeze %dma_start3A_555 : memref<1x256xf32, #tpu.memory_space<hbm>> -> memref<256xf32, #tpu.memory_space<hbm>>
      %dma_start3A_557 = arith.constant 0 : i32
      %dma_start3A_558 = tpu.memref_slice %arg6[%squeeze3A_544, %dma_start3A_557] : memref<256x256xf32, #tpu.memory_space<vmem>> -> memref<1x256xf32, #tpu.memory_space<vmem>>
      %dma_start3A_559 = tpu.memref_squeeze %dma_start3A_558 : memref<1x256xf32, #tpu.memory_space<vmem>> -> memref<256xf32, #tpu.memory_space<vmem>>
      tpu.enqueue_dma source(%dma_start3A_559 : memref<256xf32, #tpu.memory_space<vmem>>) target(%dma_start3A_556 : memref<256xf32, #tpu.memory_space<hbm>>) target_semaphore(%arg10 : memref<!tpu.dma_semaphore, #tpu.memory_space<semaphore_mem>>)
      %slice3A_560 = vector.extract_strided_slice %get3A_321 {offsets = [14], sizes = [1], strides = [1]} : vector<16xi32> to vector<1xi32>
      %squeeze3A_561 = vector.extract %slice3A_560[0] : i32 from vector<1xi32>
      %mul3A_562 = arith.constant 16 : i32
      %mul3A_563 = arith.muli %scan3A_316, %mul3A_562 : i32
      %add3A_564 = arith.addi %mul3A_32, %mul3A_563 : i32
      %add3A_565 = arith.constant 14 : i32
      %add3A_566 = arith.addi %add3A_564, %add3A_565 : i32
      %dma_start3A_567 = arith.constant 0 : i32
      %dma_start3A_568 = tpu.memref_slice %arg6[%squeeze3A_561, %dma_start3A_567] : memref<256x256xf32, #tpu.memory_space<vmem>> -> memref<1x256xf32, #tpu.memory_space<vmem>>
      %dma_start3A_569 = tpu.memref_squeeze %dma_start3A_568 : memref<1x256xf32, #tpu.memory_space<vmem>> -> memref<256xf32, #tpu.memory_space<vmem>>
      %dma_start3A_570 = tpu.memref_slice %arg4[%add3A_566, %mul3A_34] : memref<32768x1024xf32, #tpu.memory_space<hbm>> -> memref<1x256xf32, #tpu.memory_space<hbm>>
      %dma_start3A_571 = tpu.memref_squeeze %dma_start3A_570 : memref<1x256xf32, #tpu.memory_space<hbm>> -> memref<256xf32, #tpu.memory_space<hbm>>
      %dma_start3A_572 = tpu.memref_slice %arg4[%add3A_566, %mul3A_34] : memref<32768x1024xf32, #tpu.memory_space<hbm>> -> memref<1x256xf32, #tpu.memory_space<hbm>>
      %dma_start3A_573 = tpu.memref_squeeze %dma_start3A_572 : memref<1x256xf32, #tpu.memory_space<hbm>> -> memref<256xf32, #tpu.memory_space<hbm>>
      %dma_start3A_574 = arith.constant 0 : i32
      %dma_start3A_575 = tpu.memref_slice %arg6[%squeeze3A_561, %dma_start3A_574] : memref<256x256xf32, #tpu.memory_space<vmem>> -> memref<1x256xf32, #tpu.memory_space<vmem>>
      %dma_start3A_576 = tpu.memref_squeeze %dma_start3A_575 : memref<1x256xf32, #tpu.memory_space<vmem>> -> memref<256xf32, #tpu.memory_space<vmem>>
      tpu.enqueue_dma source(%dma_start3A_576 : memref<256xf32, #tpu.memory_space<vmem>>) target(%dma_start3A_573 : memref<256xf32, #tpu.memory_space<hbm>>) target_semaphore(%arg10 : memref<!tpu.dma_semaphore, #tpu.memory_space<semaphore_mem>>)
      %slice3A_577 = vector.extract_strided_slice %get3A_321 {offsets = [15], sizes = [1], strides = [1]} : vector<16xi32> to vector<1xi32>
      %squeeze3A_578 = vector.extract %slice3A_577[0] : i32 from vector<1xi32>
      %mul3A_579 = arith.constant 16 : i32
      %mul3A_580 = arith.muli %scan3A_316, %mul3A_579 : i32
      %add3A_581 = arith.addi %mul3A_32, %mul3A_580 : i32
      %add3A_582 = arith.constant 15 : i32
      %add3A_583 = arith.addi %add3A_581, %add3A_582 : i32
      %dma_start3A_584 = arith.constant 0 : i32
      %dma_start3A_585 = tpu.memref_slice %arg6[%squeeze3A_578, %dma_start3A_584] : memref<256x256xf32, #tpu.memory_space<vmem>> -> memref<1x256xf32, #tpu.memory_space<vmem>>
      %dma_start3A_586 = tpu.memref_squeeze %dma_start3A_585 : memref<1x256xf32, #tpu.memory_space<vmem>> -> memref<256xf32, #tpu.memory_space<vmem>>
      %dma_start3A_587 = tpu.memref_slice %arg4[%add3A_583, %mul3A_34] : memref<32768x1024xf32, #tpu.memory_space<hbm>> -> memref<1x256xf32, #tpu.memory_space<hbm>>
      %dma_start3A_588 = tpu.memref_squeeze %dma_start3A_587 : memref<1x256xf32, #tpu.memory_space<hbm>> -> memref<256xf32, #tpu.memory_space<hbm>>
      %dma_start3A_589 = tpu.memref_slice %arg4[%add3A_583, %mul3A_34] : memref<32768x1024xf32, #tpu.memory_space<hbm>> -> memref<1x256xf32, #tpu.memory_space<hbm>>
      %dma_start3A_590 = tpu.memref_squeeze %dma_start3A_589 : memref<1x256xf32, #tpu.memory_space<hbm>> -> memref<256xf32, #tpu.memory_space<hbm>>
      %dma_start3A_591 = arith.constant 0 : i32
      %dma_start3A_592 = tpu.memref_slice %arg6[%squeeze3A_578, %dma_start3A_591] : memref<256x256xf32, #tpu.memory_space<vmem>> -> memref<1x256xf32, #tpu.memory_space<vmem>>
      %dma_start3A_593 = tpu.memref_squeeze %dma_start3A_592 : memref<1x256xf32, #tpu.memory_space<vmem>> -> memref<256xf32, #tpu.memory_space<vmem>>
      tpu.enqueue_dma source(%dma_start3A_593 : memref<256xf32, #tpu.memory_space<vmem>>) target(%dma_start3A_590 : memref<256xf32, #tpu.memory_space<hbm>>) target_semaphore(%arg10 : memref<!tpu.dma_semaphore, #tpu.memory_space<semaphore_mem>>)
      %dma_wait3A_594 = tpu.memref_slice %arg4[%mul3A_32, %mul3A_34] : memref<32768x1024xf32, #tpu.memory_space<hbm>> -> memref<16x256xf32, #tpu.memory_space<hbm>>
      %dma_wait3A_595 = tpu.memref_slice %arg4[%mul3A_32, %mul3A_34] : memref<32768x1024xf32, #tpu.memory_space<hbm>> -> memref<16x256xf32, #tpu.memory_space<hbm>>
      tpu.wait_dma2 semaphore(%arg10 : memref<!tpu.dma_semaphore, #tpu.memory_space<semaphore_mem>>) src(%dma_wait3A_595 : memref<16x256xf32, #tpu.memory_space<hbm>>) dst(%arg7 : memref<16x256xf32, #tpu.memory_space<vmem>>)
    }
    %scan3A_313 = arith.constant 255 : i32
    %dma_wait3A_314 = tpu.memref_slice %arg4[%mul3A_32, %mul3A_34] : memref<32768x1024xf32, #tpu.memory_space<hbm>> -> memref<16x256xf32, #tpu.memory_space<hbm>>
    %dma_wait3A_315 = tpu.memref_slice %arg4[%mul3A_32, %mul3A_34] : memref<32768x1024xf32, #tpu.memory_space<hbm>> -> memref<16x256xf32, #tpu.memory_space<hbm>>
    tpu.wait_dma2 semaphore(%arg10 : memref<!tpu.dma_semaphore, #tpu.memory_space<semaphore_mem>>) src(%dma_wait3A_315 : memref<16x256xf32, #tpu.memory_space<hbm>>) dst(%arg7 : memref<16x256xf32, #tpu.memory_space<vmem>>)
    return
  }
}

</mosaic_0001>

<sc_bundles>
// kernel: _embed_lookup.3.cloned.1.call-start
scs
__scs_entry_jumppad:
0x0: {  	(pc) =	sbr.rel $0x88, $3  }
0x1: {  	(tag) =	ssettag $0x0;
	lr =	simm.s32 $0x1  }
0x2: {  	[smem:$0x3F9F] =	sst lr;
	_ =	strace $0xD0000000  }
0x3: {  	_ = 	snop  }
0x4: {  	_ = 	snop  }
0x5: {  	_ = 	snop  }
0x6: {  	_ = 	snop  }
0x7: {  	_ = 	snop  }
__scs_overlays_trampoline_lowered:
0x8: {  	[smem:$0x3FAE] =	sst s0  }
0x9: {  	[smem:$0x3FAF] =	sst s1  }
0xa: {  	[smem:$0x3FB0] =	sst s2  }
0xb: {  	[smem:$0x3FB1] =	sst s3  }
0xc: {  	[smem:$0x3FB2] =	sst s4  }
0xd: {  	[smem:$0x3FB3] =	sst s5  }
0xe: {  	[smem:$0x3FB4] =	sst s6  }
0xf: {  	[smem:$0x3FB5] =	sst s7  }
0x10: {  	[smem:$0x3FB6] =	sst s8  }
0x11: {  	[smem:$0x3FB7] =	sst s9;
	s0 =	simm.s32 @!p0 $0x0  }
0x12: {  	s1 =	sld [smem:$0x3F9D];
	s0 =	simm.s32 @p0 $0x1  }
0x13: {  	[smem:$0x3FB8] =	sst s0;
	s0 =	simm.s32 @!p1 $0x0  }
0x14: {  	s2 =	sld [smem:$0x3F9C];
	s0 =	simm.s32 @p1 $0x1  }
0x15: {  	[smem:$0x3FB9] =	sst s0;
	s0 =	simm.s32 @!p2 $0x0  }
0x16: {  	s3 =	sld [smem:$0x3FDB];
	s0 =	simm.s32 @p2 $0x1  }
0x17: {  	s4 =	simm.s32 $0x1BF5;
	[smem:$0x3FBB] =	sst s0  }
0x18: {  	s0 =	sld [smem:$0x3F9E];
	_ =	swait.ge [sflag:s4], $0x0  }
0x19: {  	s7 =	sld [smem:$0x3F9F]  }
0x1a: {  	s8 =	sadd.s32 $0xFFFFE003, lr  }
0x1b: {  	s9 =	sadd.s32 $0xFFFFFEF7, lr;
	s5 =	simm.s32 $0xFFFFFFFF;
	p2 =	slt.u32 s8, $0xFFFFF086  }
0x1c: {  	p1 =	slt.u32 s9, $0xF7A;
	s5 =	simm.s32 @!p2 $0x0  }
0x1d: {  	s5 =	simm.s32 @p1 $0x1;
	p0 =	seq.s32 s7, s2  }
0x1e: {  	s7 =	smul.u32 @!p0 $0xF7A, s2;
	p2 =	seq.s32 @!p0 s5, $0x0  }
0x1f: {  	s9 =	smul.u32 $0xF7A, s1;
	s8 =	simm.s32 @!p0 $0x1BF5;
	p2 =	por !p2, p0  }
0x20: {  	[sflag:s8] =	ssyncset.s32 @!p0 $0xFFFFF086;
	s6 =	sadd.s32 @!p0 s3, s7;
	s7 =	simm.s32 @!p0 $0x108  }
0x21: {  	s3 =	sadd.s32 s3, s9;
	s6 =	sadd.s32 @!p0 $0x88, s6;
	s7 =	simm.s32 @p2 $0x1082  }
0x22: {  	[simem:s7], [sflag:s8] =	dma.local @!p0 [hbm:s6], $0xF7A  }
0x23: {  	s9 =	sor.u32 $0xD0000000, s2;
	s6 =	simm.s32 $0x108;
	_ =	swait.ge @!p0 [sflag:s8], $0x0  }
0x24: {  	s3 =	sadd.s32 $0x88, s3;
	s6 =	simm.s32 @!p1 $0x1082;
	[sflag:s4] =	ssyncset.s32 $0xFFFFF086  }
0x25: {  	[simem:s6], [sflag:s4] =	dma.local [hbm:s3], $0xF7A  }
0x26: {  	[smem:$0x3F9F] =	sst s1;
	(tag) =	ssettag s2;
	_ =	strace s9  }
0x27: {  	s1 =	sld [smem:$0x3FAF]  }
0x28: {  	s2 =	sld [smem:$0x3FB0]  }
0x29: {  	s4 =	sld [smem:$0x3FB2]  }
0x2a: {  	p0 =	seq.s32 s5, $0x0;
	s5 =	sld [smem:$0x3FB3]  }
0x2b: {  	s6 =	sld [smem:$0x3FB4]  }
0x2c: {  	s7 =	sld [smem:$0x3FB5]  }
0x2d: {  	s3 =	simm.s32 $0x108;
	s8 =	sld [smem:$0x3FB6]  }
0x2e: {  	s3 =	simm.s32 @!p0 $0x1082;
	s9 =	sld [smem:$0x3FB7]  }
0x2f: {  	lr =	sadd.s32 s0, s3;
	s0 =	sld [smem:$0x3FAE]  }
0x30: {  	s3 =	sld [smem:$0x3FB1]  }
0x31: {  	[smem:$0x3FBA] =	sst s10  }
0x32: {  	s10 =	sld [smem:$0x3FB8];
	_ =	sdelay $0x3  }
0x33: {  	p0 =	seq.s32 s10, $0x1;
	s10 =	sld [smem:$0x3FBA];
	_ =	sdelay $0x3  }
0x34: {  	[smem:$0x3FBA] =	sst s10  }
0x35: {  	s10 =	sld [smem:$0x3FB9];
	_ =	sdelay $0x3  }
0x36: {  	p1 =	seq.s32 s10, $0x1;
	s10 =	sld [smem:$0x3FBA];
	_ =	sdelay $0x3  }
0x37: {  	[smem:$0x3FBA] =	sst s10  }
0x38: {  	s10 =	sld [smem:$0x3FBB]  }
0x39: {  	_ = 	snop;
	(pc) =	sbr.ind lr, $3  }
0x3a: {  	_ = 	snop  }
0x3b: {  	_ = 	snop  }
0x3c: {  	p2 =	seq.s32 s10, $0x1;
	s10 =	sld [smem:$0x3FBA]  }
0x3d: {  	_ =	shalt  }
0x3e: {  	_ =	shalt  }
0x3f: {  	_ =	shalt  }
0x40: {  	_ =	shalt  }
0x41: {  	_ =	shalt  }
0x42: {  	_ =	shalt  }
0x43: {  	_ =	shalt  }
0x44: {  	_ =	shalt  }
0x45: {  	_ =	shalt  }
0x46: {  	_ =	shalt  }
0x47: {  	_ =	shalt  }
0x48: {  	_ =	shalt  }
0x49: {  	_ =	shalt  }
0x4a: {  	_ =	shalt  }
0x4b: {  	_ =	shalt  }
0x4c: {  	_ =	shalt  }
0x4d: {  	_ =	shalt  }
0x4e: {  	_ =	shalt  }
0x4f: {  	_ =	shalt  }
0x50: {  	_ =	shalt  }
0x51: {  	_ =	shalt  }
0x52: {  	_ =	shalt  }
0x53: {  	_ =	shalt  }
0x54: {  	_ =	shalt  }
0x55: {  	_ =	shalt  }
0x56: {  	_ =	shalt  }
0x57: {  	_ =	shalt  }
0x58: {  	_ =	shalt  }
0x59: {  	_ =	shalt  }
0x5a: {  	_ =	shalt  }
0x5b: {  	_ =	shalt  }
0x5c: {  	_ =	shalt  }
0x5d: {  	_ =	shalt  }
0x5e: {  	_ =	shalt  }
0x5f: {  	_ =	shalt  }
0x60: {  	_ =	shalt  }
0x61: {  	_ =	shalt  }
0x62: {  	_ =	shalt  }
0x63: {  	_ =	shalt  }
0x64: {  	_ =	shalt  }
0x65: {  	_ =	shalt  }
0x66: {  	_ =	shalt  }
0x67: {  	_ =	shalt  }
0x68: {  	_ =	shalt  }
0x69: {  	_ =	shalt  }
0x6a: {  	_ =	shalt  }
0x6b: {  	_ =	shalt  }
0x6c: {  	_ =	shalt  }
0x6d: {  	_ =	shalt  }
0x6e: {  	_ =	shalt  }
0x6f: {  	_ =	shalt  }
0x70: {  	_ =	shalt  }
0x71: {  	_ =	shalt  }
0x72: {  	_ =	shalt  }
0x73: {  	_ =	shalt  }
0x74: {  	_ =	shalt  }
0x75: {  	_ =	shalt  }
0x76: {  	_ =	shalt  }
0x77: {  	_ =	shalt  }
0x78: {  	_ =	shalt  }
0x79: {  	_ =	shalt  }
0x7a: {  	_ =	shalt  }
0x7b: {  	_ =	shalt  }
0x7c: {  	_ =	shalt  }
0x7d: {  	_ =	shalt  }
0x7e: {  	_ =	shalt  }
0x7f: {  	_ =	shalt  }
0x80: {  	_ =	shalt  }
0x81: {  	_ =	shalt  }
0x82: {  	_ =	shalt  }
0x83: {  	_ =	shalt  }
0x84: {  	_ =	shalt  }
0x85: {  	_ =	shalt  }
0x86: {  	_ =	shalt  }
0x87: {  	_ =	shalt  }
.Lfunc_end0:
.L_simem_size_0:
called_computation_lowered:
.L_overlay_start_0:
0x88: {  	s2 =	sld [smem:$0x3FD9]  }
0x89: {  	s3 =	sld [smem:$0x3FFE];
	_ =	sdelay $0x1  }
0x8a: {  	s1 =	srdreg.scid  }
0x8b: {  	s0 =	sand.u32 $0x1, s1  }
0x8c: {  	s18 =	sshll.u32 s0, $0xA;
	s2 =	sadd.s32 s3, s2  }
0x8d: {  	s2 =	sadd.s32 s2, s18  }
0x8e: {  	[smem:$0x3FC6] =	sst s2  }
0x8f: {  	_ = 	snop  }
0x90: {  	s2 =	sld [smem:$0x3FC9]  }
0x91: {  	s19 =	sld [smem:$0x3FC8]  }
0x92: {  	s4 =	sld [smem:$0x3FD0];
	(tm) =	ssettm $0x1  }
0x93: {  	s5 =	sld [smem:$0x3FFB];
	_ =	sdelay $0x3  }
0x94: {  	_ =	strace s5  }
0x95: {  	s5 =	sld [smem:$0x3FFC];
	_ =	sdelay $0x3  }
0x96: {  	_ =	strace s5  }
0x97: {  	s5 =	sld [smem:$0x3FFD];
	_ =	sdelay $0x3  }
0x98: {  	_ =	strace s5  }
0x99: {  	_ =	strace $0x8FFFFFFF  }
0x9a: {  	s20 =	sld [smem:$0x3FDB];
	_ =	sdelay $0x1  }
0x9b: {  	s6 =	simm.s32 $_scs_section_size  }
0x9c: {  	s7 =	simm.s32 $_size__tile_overlayer_lowered;
	s8 =	simm.s32 $_tile_overlayer_lowered  }
0x9d: {  	s23 =	simm.s32 $0x1BFF;
	s22 =	sshll.u32 s8, $0x1;
	s5 =	sadd.s32 s6, s20  }
0x9e: {  	s9 =	simm.s32 $0x0;
	s21 =	sshll.u32 s7, $0x1;
	s7 =	sadd.s32 s22, s5  }
0x9f: {  	[timem:s9], [sflag:s23] =	dma.local [hbm:s7], s21  }
0xa0: {  	_ =	swait.ge [sflag:s23], s21  }
0xa1: {  	s6 =	ssub.s32 $0x0, s21;
	[sflag:s23] =	ssyncset.done $0x0  }
0xa2: {  	[sflag:s23] =	ssyncadd.s32 s6;
	_ =	sdelay $0x1  }
0xa3: {  	s24 =	simm.s32 $0x1B8B  }
0xa4: {  	_ =	swait.ge [sflag:s24], $0x1  }
0xa5: {  	[sflag:s24] =	ssyncset.done $0x0  }
0xa6: {  	s25 =	simm.s32 $0x1B8E;
	[sflag:s24] =	ssyncadd.s32 $0xFFFFFFFF  }
0xa7: {  	s26 =	simm.s32 $execute0_lowered;
	[smem:$0x3FD2] =	sst s25  }
0xa8: {  	s6 =	sshll.u32 s26, $0x1;
	_ =	strace $0x80000046;
	[dreg:$0x1] =	wrdreg $0xFFFFFFFF  }
0xa9: {  	s28 =	simm.s32 $_size_execute0_lowered;
	s5 =	sadd.s32 s5, s6;
	[dreg:$0x0] =	wrdreg $0x0  }
0xaa: {  	s6 =	sshll.u32 s28, $0x1;
	[dreg:$0x2] =	wrdreg s5  }
0xab: {  	[dreg:$0x3] =	wrdreg s6  }
0xac: {  	[dreg:$0x4] =	wrdreg $0xC0  }
0xad: {  	_ =	task [dreg:s9], $0x5FFFF  }
0xae: {  	[dreg:$0x1] =	wrdreg $0xFFFFFFFF  }
0xaf: {  	[dreg:$0x0] =	wrdreg $0x60  }
0xb0: {  	[dreg:$0x2] =	wrdreg s2  }
0xb1: {  	[dreg:$0x3] =	wrdreg s19  }
0xb2: {  	[dreg:$0x4] =	wrdreg s4  }
0xb3: {  	[dreg:$0x5] =	wrdreg $0x9  }
0xb4: {  	_ =	task.clear_ibuf [dreg:s9], $0x6FFFF;
	_ =	strace $0x90000046  }
0xb5: {  	s29 =	simm.s32 $0x9;
	_ =	strace $0x80000048  }
0xb6: {  	_ =	swait.ge [sflag:s29], $0x1  }
0xb7: {  	[sflag:s29] =	ssyncadd.s32 $0xFFFFFFFF  }
0xb8: {  	_ =	strace $0x90000048  }
0xb9: {  	_ =	sfence  }
0xba: {  	s30 =	sld [smem:$0x0];
	_ =	sdelay $0x2  }
0xbb: {  	s31 =	sshll.u32 s1, $0xD;
	s1 =	sshrl.u32 s1, $0x2  }
0xbc: {  	s3 =	sand.u32 $0x4000, s31;
	s1 =	sadd.s32 s1, s30  }
0xbd: {  	s0 =	sor.u32 s3, s0;
	s1 =	sshll.u32 s1, $0x11  }
0xbe: {  	s0 =	sor.u32 s1, s0  }
0xbf: {  	s0 =	sadd.s32 $0x8F2B, s0  }
0xc0: {  	[sflag:s0] =	ssyncadd.remote.s32 $0x1  }
0xc1: {  	_ =	sfence.sel $0xFFFF  }
0xc2: {  	[dreg:$0x0] =	wrdreg $0xFFFFFFFF;
	(pc) =	sbr.abs _section_cstart, $3  }
0xc3: {  	[dreg:$0x1] =	wrdreg $0xFFFFFFFF  }
0xc4: {  	_ =	task.clear_ibuf [dreg:s9], $0x2FFFF;
	_ =	strace $0x9FFFFFFF  }
0xc5: {  	(tm) =	ssettm $0x7FFFFFFF  }
tec
execute0_lowered:
.L_overlay_start_1:
0x0: {  	(tag) =	ssettag $0x1  }
0x1: {  	s0 =	rddreg [dreg:$0x0]  }
0x2: {  	s1 =	rddreg [dreg:$0x1]  }
0x3: {  	s17 =	rddreg [dreg:$0x2];
	s2 =	srdreg.scid  }
0x4: {  	s3 =	simm.s32 $0x0;
	s9 =	stileid.u32;
	s2 =	sand.u32 $0x1, s2  }
0x5: {  	[smem:$0x7FF] =	sst s3;
	s5 =	sshll.u32 s9, $0x1;
	s14 =	sadd.s32 $0x460, s17  }
0x6: {  	s22 =	sadd.s32 $0x10, s17;
	_ =	strace $0x80000047;
	[dreg:$0x8] =	wrdreg s14  }
0x7: {  	s19 =	sshrl.u32 s9, $0x1;
	s29 =	sadd.s32 $0x420, s17;
	[dreg:$0x4] =	wrdreg s22  }
0x8: {  	s30 =	sadd.s32 $0x430, s17;
	s15 =	sadd.s32 $0x470, s17;
	[dreg:$0x6] =	wrdreg s29  }
0x9: {  	s4 =	ssub.s32 $0x2, s2;
	s5 =	sand.u32 $0x2, s5;
	[dreg:$0x7] =	wrdreg s30  }
0xa: {  	s8 =	sshll.u32 s19, $0x16;
	s20 =	sshll.u32 s19, $0x9;
	[dreg:$0x9] =	wrdreg s15  }
0xb: {  	s6 =	sshrl.u32 s4, $0x1;
	s5 =	sor.u32 s2, s5;
	s0 =	sadd.s32 s0, s20  }
0xc: {  	s4 =	ssub.s32 s4, s6;
	s7 =	sshll.u32 s5, $0xD;
	s5 =	sshll.u32 s5, $0xB  }
0xd: {  	[smem:$0x7EB] =	sst s0;
	s1 =	sadd.s32 s1, s7;
	s5 =	sor.u32 s8, s5  }
0xe: {  	s16 =	smax.u32 s4, $0x1;
	[smem:$0x7EA] =	sst s1;
	s21 =	sshrl.u32 s5, $0x3  }
0xf: {  	[smem:$0x7FC] =	sst s16;
	s23 =	sadd.s32 s17, s21  }
0x10: {  	s20 =	sadd.s32 $0x20, s17;
	s24 =	sadd.s32 s21, s22;
	[smem:$0x7EC] =	sst s23  }
0x11: {  	s18 =	sadd.s32 $0x30, s17;
	s25 =	sadd.s32 s21, s20;
	[smem:$0x7ED] =	sst s24  }
0x12: {  	s19 =	sadd.s32 $0x70, s17;
	s26 =	sadd.s32 s21, s18;
	[smem:$0x7EE] =	sst s25  }
0x13: {  	s28 =	sadd.s32 $0x410, s17;
	s7 =	sadd.s32 s21, s19;
	[smem:$0x7EF] =	sst s26  }
0x14: {  	s6 =	sand.u32 $0x1, s9;
	s9 =	sadd.s32 s21, s28;
	[smem:$0x7F3] =	sst s7  }
0x15: {  	s31 =	sadd.s32 $0x440, s17;
	s10 =	sadd.s32 s21, s29;
	[smem:$0x7F5] =	sst s9  }
0x16: {  	s2 =	sshll.u32 s2, $0xB;
	s11 =	sadd.s32 s21, s30;
	[smem:$0x7F6] =	sst s10  }
0x17: {  	s1 =	sshll.u32 s6, $0xC;
	s12 =	sadd.s32 s21, s31;
	[smem:$0x7F7] =	sst s11  }
0x18: {  	s1 =	sor.u32 s1, s8;
	s0 =	sadd.s32 s21, s15;
	[smem:$0x7F8] =	sst s12  }
0x19: {  	s1 =	sor.u32 s2, s1;
	s2 =	sadd.s32 s21, s14;
	[smem:$0x7FB] =	sst s0  }
0x1a: {  	s23 =	sadd.s32 $0x40, s17;
	[smem:$0x7FA] =	sst s2  }
0x1b: {  	s24 =	sadd.s32 $0x50, s17;
	s3 =	sadd.s32 s21, s23;
	[dreg:$0x5] =	wrdreg s23  }
0x1c: {  	s26 =	sadd.s32 $0x400, s17;
	s5 =	sadd.s32 s21, s24;
	[smem:$0x7F0] =	sst s3  }
0x1d: {  	s25 =	sadd.s32 $0x60, s17;
	s8 =	sadd.s32 s21, s26;
	[smem:$0x7F1] =	sst s5  }
0x1e: {  	s5 =	sadd.s32 s21, s25;
	[smem:$0x7F4] =	sst s8  }
0x1f: {  	s3 =	sadd.s32 $0x450, s17;
	[smem:$0x7F2] =	sst s5  }
0x20: {  	s13 =	sadd.s32 s21, s3;
	[dreg:$0xd] =	wrdreg s3  }
0x21: {  	s21 =	sor.u32 $0x4000, s1;
	[smem:$0x7F9] =	sst s13  }
0x22: {  	s1 =	simm.s32 $0x0;
	[smem:$0x7FD] =	sst s21  }
.LBB2_1:
0x23: {  	s0 =	sld [smem:$0x7EA];
	_ =	sdelay $0x1  }
0x24: {  	s21 =	simm.s32 $0x0;
	s2 =	simm.s32 $0x1000;
	s4 =	sld [smem:$0x7EB]  }
0x25: {  	[tilespmem:s2], [sflag:$0x2] =	stream.linear.gather [hbm4b:s0+s21], $0x10000, $0x38;
	[tilespmem:$0x11000] =	vst v63  }
0x26: {  	[smem:$0x7E8] =	sst s1;
	s5 =	simm.s32 $0x2  }
0x27: {  	[tilespmem:s21], [sflag:$0x1] =	stream.linear.gather [hbm4b:s4+s21], $0x1000, $0x38;
	[tilespmem:$0x11000] =	vst v63  }
0x28: {  	_ =	swait.ge [sflag:s5], $0x10000  }
0x29: {  	[sflag:s5] =	ssyncset.done $0x0  }
0x2a: {  	s6 =	simm.s32 $0x1;
	[sflag:s5] =	ssyncadd.s32 $0xFFFF0000  }
0x2b: {  	_ =	swait.ge [sflag:s6], $0x1000  }
0x2c: {  	[sflag:s6] =	ssyncset.done $0x0  }
0x2d: {  	[sflag:s6] =	ssyncadd.s32 $0xFFFFF000  }
0x2e: {  	v0 =	vld [tilespmem:$0x0];
	_ =	sdelay $0x4  }
0x2f: {  	(v2sf) =	vpush v0, $0x0;
	_ =	sdelay $0x5  }
0x30: {  	(v2sf) =	vpush v0, $0x1;
	_ =	sdelay $0x6  }
0x31: {  	(v2sf) =	vpush v0, $0x2;
	_ =	sdelay $0x1  }
0x32: {  	s7 =	spop (v2sf)  }
0x33: {  	s8 =	sshll.u32 s7, $0x8;
	s0 =	sshll.u32 s7, $0x7  }
0x34: {  	s2 =	sld [smem:$0x7EC];
	s1 =	sand.u32 $0xFFFFF800, s8;
	s0 =	sand.u32 $0x380, s0  }
0x35: {  	s0 =	sor.u32 s0, s1  }
0x36: {  	s1 =	sadd.s32 $0x1000, s0  }
0x37: {  	(v2sf) =	vpush v0, $0x3;
	[hbm4b:s2+s21] =	stream.linear.scatter [tilespmem:s1], [sflag:$0x3], $0x80, $0x38;
	[tilespmem:$0x11000] =	vst v63  }
0x38: {  	s9 =	sadd.s32 $0x80, s2;
	s10 =	spop (v2sf);
	s0 =	sadd.s32 $0x1400, s0  }
0x39: {  	[hbm4b:s9+s21] =	stream.linear.scatter [tilespmem:s0], [sflag:$0x3], $0x80, $0x38;
	[tilespmem:$0x11000] =	vst v63  }
0x3a: {  	s11 =	sshll.u32 s10, $0x8;
	s0 =	sshll.u32 s10, $0x7  }
0x3b: {  	s12 =	sld [smem:$0x7ED];
	s1 =	sand.u32 $0xFFFFF800, s11;
	s0 =	sand.u32 $0x380, s0  }
0x3c: {  	s0 =	sor.u32 s0, s1  }
0x3d: {  	s1 =	sadd.s32 $0x1000, s0  }
0x3e: {  	(v2sf) =	vpush v0, $0x4;
	[hbm4b:s12+s21] =	stream.linear.scatter [tilespmem:s1], [sflag:$0x3], $0x80, $0x38;
	[tilespmem:$0x11000] =	vst v63  }
0x3f: {  	s13 =	sadd.s32 $0x80, s12;
	s14 =	spop (v2sf);
	s0 =	sadd.s32 $0x1400, s0  }
0x40: {  	[hbm4b:s13+s21] =	stream.linear.scatter [tilespmem:s0], [sflag:$0x3], $0x80, $0x38;
	[tilespmem:$0x11000] =	vst v63  }
0x41: {  	s15 =	sshll.u32 s14, $0x8;
	s0 =	sshll.u32 s14, $0x7  }
0x42: {  	s16 =	sld [smem:$0x7EE];
	s1 =	sand.u32 $0xFFFFF800, s15;
	s0 =	sand.u32 $0x380, s0  }
0x43: {  	s0 =	sor.u32 s0, s1  }
0x44: {  	s1 =	sadd.s32 $0x1000, s0  }
0x45: {  	(v2sf) =	vpush v0, $0x5;
	[hbm4b:s16+s21] =	stream.linear.scatter [tilespmem:s1], [sflag:$0x3], $0x80, $0x38;
	[tilespmem:$0x11000] =	vst v63  }
0x46: {  	s4 =	sadd.s32 $0x80, s16;
	s5 =	spop (v2sf);
	s0 =	sadd.s32 $0x1400, s0  }
0x47: {  	[hbm4b:s4+s21] =	stream.linear.scatter [tilespmem:s0], [sflag:$0x3], $0x80, $0x38;
	[tilespmem:$0x11000] =	vst v63  }
0x48: {  	s6 =	sshll.u32 s5, $0x8;
	s0 =	sshll.u32 s5, $0x7  }
0x49: {  	s7 =	sld [smem:$0x7EF];
	s1 =	sand.u32 $0xFFFFF800, s6;
	s0 =	sand.u32 $0x380, s0  }
0x4a: {  	s0 =	sor.u32 s0, s1  }
0x4b: {  	s1 =	sadd.s32 $0x1000, s0  }
0x4c: {  	(v2sf) =	vpush v0, $0x6;
	[hbm4b:s7+s21] =	stream.linear.scatter [tilespmem:s1], [sflag:$0x3], $0x80, $0x38;
	[tilespmem:$0x11000] =	vst v63  }
0x4d: {  	s8 =	sadd.s32 $0x80, s7;
	s9 =	spop (v2sf);
	s0 =	sadd.s32 $0x1400, s0  }
0x4e: {  	[hbm4b:s8+s21] =	stream.linear.scatter [tilespmem:s0], [sflag:$0x3], $0x80, $0x38;
	[tilespmem:$0x11000] =	vst v63  }
0x4f: {  	s10 =	sshll.u32 s9, $0x8;
	s0 =	sshll.u32 s9, $0x7  }
0x50: {  	s11 =	sld [smem:$0x7F0];
	s1 =	sand.u32 $0xFFFFF800, s10;
	s0 =	sand.u32 $0x380, s0  }
0x51: {  	s0 =	sor.u32 s0, s1  }
0x52: {  	s1 =	sadd.s32 $0x1000, s0  }
0x53: {  	(v2sf) =	vpush v0, $0x7;
	[hbm4b:s11+s21] =	stream.linear.scatter [tilespmem:s1], [sflag:$0x3], $0x80, $0x38;
	[tilespmem:$0x11000] =	vst v63  }
0x54: {  	s12 =	sadd.s32 $0x80, s11;
	s13 =	spop (v2sf);
	s0 =	sadd.s32 $0x1400, s0  }
0x55: {  	[hbm4b:s12+s21] =	stream.linear.scatter [tilespmem:s0], [sflag:$0x3], $0x80, $0x38;
	[tilespmem:$0x11000] =	vst v63  }
0x56: {  	s14 =	sshll.u32 s13, $0x8;
	s0 =	sshll.u32 s13, $0x7  }
0x57: {  	s15 =	sld [smem:$0x7F1];
	s1 =	sand.u32 $0xFFFFF800, s14;
	s0 =	sand.u32 $0x380, s0  }
0x58: {  	s0 =	sor.u32 s0, s1  }
0x59: {  	s1 =	sadd.s32 $0x1000, s0  }
0x5a: {  	(v2sf) =	vpush v0, $0x8;
	[hbm4b:s15+s21] =	stream.linear.scatter [tilespmem:s1], [sflag:$0x3], $0x80, $0x38;
	[tilespmem:$0x11000] =	vst v63  }
0x5b: {  	s16 =	sadd.s32 $0x80, s15;
	s0 =	sadd.s32 $0x1400, s0;
	s1 =	spop (v2sf)  }
0x5c: {  	[hbm4b:s16+s21] =	stream.linear.scatter [tilespmem:s0], [sflag:$0x3], $0x80, $0x38;
	[tilespmem:$0x11000] =	vst v63  }
0x5d: {  	s2 =	sshll.u32 s1, $0x8;
	s0 =	sshll.u32 s1, $0x7  }
0x5e: {  	s4 =	sld [smem:$0x7F2];
	s1 =	sand.u32 $0xFFFFF800, s2;
	s0 =	sand.u32 $0x380, s0  }
0x5f: {  	s0 =	sor.u32 s0, s1  }
0x60: {  	s1 =	sadd.s32 $0x1000, s0  }
0x61: {  	(v2sf) =	vpush v0, $0x9;
	[hbm4b:s4+s21] =	stream.linear.scatter [tilespmem:s1], [sflag:$0x3], $0x80, $0x38;
	[tilespmem:$0x11000] =	vst v63  }
0x62: {  	s5 =	sadd.s32 $0x80, s4;
	s6 =	spop (v2sf);
	s0 =	sadd.s32 $0x1400, s0  }
0x63: {  	[hbm4b:s5+s21] =	stream.linear.scatter [tilespmem:s0], [sflag:$0x3], $0x80, $0x38;
	[tilespmem:$0x11000] =	vst v63  }
0x64: {  	s7 =	sshll.u32 s6, $0x8;
	s0 =	sshll.u32 s6, $0x7  }
0x65: {  	s8 =	sld [smem:$0x7F3];
	s1 =	sand.u32 $0xFFFFF800, s7;
	s0 =	sand.u32 $0x380, s0  }
0x66: {  	s0 =	sor.u32 s0, s1  }
0x67: {  	s1 =	sadd.s32 $0x1000, s0  }
0x68: {  	(v2sf) =	vpush v0, $0xA;
	[hbm4b:s8+s21] =	stream.linear.scatter [tilespmem:s1], [sflag:$0x3], $0x80, $0x38;
	[tilespmem:$0x11000] =	vst v63  }
0x69: {  	s9 =	sadd.s32 $0x80, s8;
	s10 =	spop (v2sf);
	s0 =	sadd.s32 $0x1400, s0  }
0x6a: {  	[hbm4b:s9+s21] =	stream.linear.scatter [tilespmem:s0], [sflag:$0x3], $0x80, $0x38;
	[tilespmem:$0x11000] =	vst v63  }
0x6b: {  	s11 =	sshll.u32 s10, $0x8;
	s0 =	sshll.u32 s10, $0x7  }
0x6c: {  	s12 =	sld [smem:$0x7F4];
	s1 =	sand.u32 $0xFFFFF800, s11;
	s0 =	sand.u32 $0x380, s0  }
0x6d: {  	s0 =	sor.u32 s0, s1  }
0x6e: {  	s1 =	sadd.s32 $0x1000, s0  }
0x6f: {  	(v2sf) =	vpush v0, $0xB;
	[hbm4b:s12+s21] =	stream.linear.scatter [tilespmem:s1], [sflag:$0x3], $0x80, $0x38;
	[tilespmem:$0x11000] =	vst v63  }
0x70: {  	s13 =	sadd.s32 $0x80, s12;
	s14 =	spop (v2sf);
	s0 =	sadd.s32 $0x1400, s0  }
0x71: {  	[hbm4b:s13+s21] =	stream.linear.scatter [tilespmem:s0], [sflag:$0x3], $0x80, $0x38;
	[tilespmem:$0x11000] =	vst v63  }
0x72: {  	s15 =	sshll.u32 s14, $0x8;
	s0 =	sshll.u32 s14, $0x7  }
0x73: {  	s16 =	sld [smem:$0x7F5];
	s1 =	sand.u32 $0xFFFFF800, s15;
	s0 =	sand.u32 $0x380, s0  }
0x74: {  	s0 =	sor.u32 s0, s1  }
0x75: {  	s1 =	sadd.s32 $0x1000, s0  }
0x76: {  	(v2sf) =	vpush v0, $0xC;
	[hbm4b:s16+s21] =	stream.linear.scatter [tilespmem:s1], [sflag:$0x3], $0x80, $0x38;
	[tilespmem:$0x11000] =	vst v63  }
0x77: {  	s4 =	sadd.s32 $0x80, s16;
	s5 =	spop (v2sf);
	s0 =	sadd.s32 $0x1400, s0  }
0x78: {  	[hbm4b:s4+s21] =	stream.linear.scatter [tilespmem:s0], [sflag:$0x3], $0x80, $0x38;
	[tilespmem:$0x11000] =	vst v63  }
0x79: {  	s6 =	sshll.u32 s5, $0x8;
	s0 =	sshll.u32 s5, $0x7  }
0x7a: {  	s7 =	sld [smem:$0x7F6];
	s1 =	sand.u32 $0xFFFFF800, s6;
	s0 =	sand.u32 $0x380, s0  }
0x7b: {  	s0 =	sor.u32 s0, s1  }
0x7c: {  	s1 =	sadd.s32 $0x1000, s0  }
0x7d: {  	(v2sf) =	vpush v0, $0xD;
	[hbm4b:s7+s21] =	stream.linear.scatter [tilespmem:s1], [sflag:$0x3], $0x80, $0x38;
	[tilespmem:$0x11000] =	vst v63  }
0x7e: {  	s8 =	sadd.s32 $0x80, s7;
	s9 =	spop (v2sf);
	s0 =	sadd.s32 $0x1400, s0  }
0x7f: {  	[hbm4b:s8+s21] =	stream.linear.scatter [tilespmem:s0], [sflag:$0x3], $0x80, $0x38;
	[tilespmem:$0x11000] =	vst v63  }
0x80: {  	s10 =	sshll.u32 s9, $0x8;
	s0 =	sshll.u32 s9, $0x7  }
0x81: {  	s11 =	sld [smem:$0x7F7];
	s1 =	sand.u32 $0xFFFFF800, s10;
	s0 =	sand.u32 $0x380, s0  }
0x82: {  	s0 =	sor.u32 s0, s1  }
0x83: {  	s1 =	sadd.s32 $0x1000, s0  }
0x84: {  	(v2sf) =	vpush v0, $0xE;
	[hbm4b:s11+s21] =	stream.linear.scatter [tilespmem:s1], [sflag:$0x3], $0x80, $0x38;
	[tilespmem:$0x11000] =	vst v63  }
0x85: {  	s12 =	sadd.s32 $0x80, s11;
	s13 =	spop (v2sf);
	s0 =	sadd.s32 $0x1400, s0  }
0x86: {  	[hbm4b:s12+s21] =	stream.linear.scatter [tilespmem:s0], [sflag:$0x3], $0x80, $0x38;
	[tilespmem:$0x11000] =	vst v63  }
0x87: {  	s14 =	sshll.u32 s13, $0x8;
	s0 =	sshll.u32 s13, $0x7  }
0x88: {  	s15 =	sld [smem:$0x7F8];
	s1 =	sand.u32 $0xFFFFF800, s14;
	s0 =	sand.u32 $0x380, s0  }
0x89: {  	s0 =	sor.u32 s0, s1  }
0x8a: {  	s1 =	sadd.s32 $0x1000, s0  }
0x8b: {  	(v2sf) =	vpush v0, $0xF;
	[hbm4b:s15+s21] =	stream.linear.scatter [tilespmem:s1], [sflag:$0x3], $0x80, $0x38;
	[tilespmem:$0x11000] =	vst v63  }
0x8c: {  	s16 =	sadd.s32 $0x80, s15;
	s0 =	sadd.s32 $0x1400, s0;
	s1 =	spop (v2sf)  }
0x8d: {  	[hbm4b:s16+s21] =	stream.linear.scatter [tilespmem:s0], [sflag:$0x3], $0x80, $0x38;
	[tilespmem:$0x11000] =	vst v63  }
0x8e: {  	s2 =	sshll.u32 s1, $0x8;
	s0 =	sshll.u32 s1, $0x7  }
0x8f: {  	s4 =	sld [smem:$0x7F9];
	s1 =	sand.u32 $0xFFFFF800, s2;
	s0 =	sand.u32 $0x380, s0  }
0x90: {  	s0 =	sor.u32 s0, s1  }
0x91: {  	s1 =	sadd.s32 $0x1000, s0  }
0x92: {  	[hbm4b:s4+s21] =	stream.linear.scatter [tilespmem:s1], [sflag:$0x3], $0x80, $0x38;
	[tilespmem:$0x11000] =	vst v63  }
0x93: {  	s5 =	sadd.s32 $0x80, s4;
	s6 =	spop (v2sf);
	s0 =	sadd.s32 $0x1400, s0  }
0x94: {  	[hbm4b:s5+s21] =	stream.linear.scatter [tilespmem:s0], [sflag:$0x3], $0x80, $0x38;
	[tilespmem:$0x11000] =	vst v63  }
0x95: {  	s7 =	sshll.u32 s6, $0x8;
	s0 =	sshll.u32 s6, $0x7  }
0x96: {  	s8 =	sld [smem:$0x7FA];
	s1 =	sand.u32 $0xFFFFF800, s7;
	s0 =	sand.u32 $0x380, s0  }
0x97: {  	s0 =	sor.u32 s0, s1  }
0x98: {  	s1 =	sadd.s32 $0x1000, s0  }
0x99: {  	[hbm4b:s8+s21] =	stream.linear.scatter [tilespmem:s1], [sflag:$0x3], $0x80, $0x38;
	[tilespmem:$0x11000] =	vst v63  }
0x9a: {  	s9 =	sadd.s32 $0x80, s8;
	s10 =	spop (v2sf);
	s0 =	sadd.s32 $0x1400, s0  }
0x9b: {  	[hbm4b:s9+s21] =	stream.linear.scatter [tilespmem:s0], [sflag:$0x3], $0x80, $0x38;
	[tilespmem:$0x11000] =	vst v63  }
0x9c: {  	s11 =	sshll.u32 s10, $0x8;
	s0 =	sshll.u32 s10, $0x7  }
0x9d: {  	s12 =	sld [smem:$0x7FB];
	s1 =	sand.u32 $0xFFFFF800, s11;
	s0 =	sand.u32 $0x380, s0  }
0x9e: {  	s0 =	sor.u32 s0, s1  }
0x9f: {  	s1 =	sadd.s32 $0x1000, s0  }
0xa0: {  	[hbm4b:s12+s21] =	stream.linear.scatter [tilespmem:s1], [sflag:$0x3], $0x80, $0x38;
	[tilespmem:$0x11000] =	vst v63  }
0xa1: {  	s14 =	simm.s32 $0x10;
	s13 =	sadd.s32 $0x80, s12;
	s0 =	sadd.s32 $0x1400, s0  }
0xa2: {  	[hbm4b:s13+s21] =	stream.linear.scatter [tilespmem:s0], [sflag:$0x3], $0x80, $0x38;
	[tilespmem:$0x11000] =	vst v63  }
0xa3: {  	v0 =	vld [tilespmem:s14+$0x0];
	_ =	sdelay $0x4  }
0xa4: {  	(v2sf) =	vpush v0, $0x0;
	_ =	sdelay $0x3  }
0xa5: {  	(v2sf) =	vpush v0, $0x1;
	_ =	sdelay $0x1  }
0xa6: {  	(v2sf) =	vpush v0, $0x3  }
0xa7: {  	s15 =	sld [smem:$0x7FD];
	(v2sf) =	vpush v0, $0x4;
	_ =	sdelay $0x1  }
0xa8: {  	(v2sf) =	vpush v0, $0x2  }
0xa9: {  	s16 =	sshrl.u32 s15, $0x3  }
0xaa: {  	s2 =	sadd.s32 s16, s25;
	s3 =	sadd.s32 s16, s3  }
0xab: {  	s7 =	sadd.s32 s17, s16;
	s6 =	sadd.s32 s16, s22;
	s5 =	sadd.s32 s16, s24  }
0xac: {  	s8 =	sadd.s32 $0x80, s7;
	s9 =	sadd.s32 $0x80, s6;
	s1 =	sadd.s32 $0x4000, s15  }
0xad: {  	[dreg:$0xb] =	wrdreg s1;
	s13 =	simm.s32 $0x80;
	s0 =	sadd.s32 s16, s19  }
0xae: {  	[dreg:$0xa] =	wrdreg s13;
	s4 =	sadd.s32 $0x80, s0;
	(v2sf) =	vpush v0, $0x5;
	s11 =	spop (v2sf)  }
0xaf: {  	s14 =	sadd.s32 s16, s26;
	s12 =	sshll.u32 s11, $0x8;
	s11 =	sshll.u32 s11, $0x7  }
0xb0: {  	[smem:$0x7E9] =	sst s4;
	s12 =	sand.u32 $0xFFFFF800, s12;
	s11 =	sand.u32 $0x380, s11  }
0xb1: {  	s10 =	sadd.s32 s16, s18;
	[dreg:$0xe] =	wrdreg s14;
	s11 =	sor.u32 s11, s12  }
0xb2: {  	s4 =	sadd.s32 $0x80, s14;
	s15 =	spop (v2sf);
	s14 =	sadd.s32 $0x1000, s11  }
0xb3: {  	[hbm4b:s7+s21] =	stream.linear.scatter [tilespmem:s14], [sflag:$0x3], $0x80, $0x38;
	[tilespmem:$0x11000] =	vst v63  }
0xb4: {  	s13 =	sadd.s32 s16, s20;
	s1 =	sshll.u32 s15, $0x8;
	s14 =	spop (v2sf)  }
0xb5: {  	s12 =	sshll.u32 s15, $0x7;
	s11 =	sadd.s32 $0x1400, s11;
	s15 =	spop (v2sf)  }
0xb6: {  	[hbm4b:s8+s21] =	stream.linear.scatter [tilespmem:s11], [sflag:$0x3], $0x80, $0x38;
	[tilespmem:$0x11000] =	vst v63  }
0xb7: {  	[dreg:$0xf] =	wrdreg s4;
	s8 =	sand.u32 $0x380, s12;
	s12 =	spop (v2sf)  }
0xb8: {  	s4 =	sadd.s32 s16, s30;
	s7 =	sand.u32 $0xFFFFF800, s1;
	s1 =	sshll.u32 s12, $0x7  }
0xb9: {  	s11 =	sshll.u32 s12, $0x8;
	s7 =	sor.u32 s8, s7;
	s12 =	sshll.u32 s14, $0x8  }
0xba: {  	s8 =	sand.u32 $0x380, s1;
	s11 =	sand.u32 $0xFFFFF800, s11;
	s1 =	sadd.s32 $0x1000, s7  }
0xbb: {  	(v2sf) =	vpush v0, $0xA;
	[hbm4b:s6+s21] =	stream.linear.scatter [tilespmem:s1], [sflag:$0x3], $0x80, $0x38;
	[tilespmem:$0x11000] =	vst v63  }
0xbc: {  	(v2sf) =	vpush v0, $0x9;
	s7 =	sadd.s32 $0x1400, s7;
	s6 =	rddreg [dreg:$0x8];
	s8 =	sor.u32 s8, s11  }
0xbd: {  	s11 =	spop (v2sf);
	s1 =	sadd.s32 s16, s6;
	s6 =	sadd.s32 $0x80, s2  }
0xbe: {  	(v2sf) =	vpush v0, $0x6;
	[dreg:$0xc] =	wrdreg s1;
	s1 =	sshll.u32 s14, $0x7;
	s14 =	smov.u32 s3  }
0xbf: {  	[hbm4b:s9+s21] =	stream.linear.scatter [tilespmem:s7], [sflag:$0x3], $0x80, $0x38;
	[tilespmem:$0x11000] =	vst v63  }
0xc0: {  	s9 =	sand.u32 $0xFFFFF800, s12;
	s12 =	sadd.s32 $0x1000, s8;
	s1 =	sand.u32 $0x380, s1  }
0xc1: {  	(v2sf) =	vpush v0, $0x8;
	[hbm4b:s13+s21] =	stream.linear.scatter [tilespmem:s12], [sflag:$0x3], $0x80, $0x38;
	[tilespmem:$0x11000] =	vst v63  }
0xc2: {  	(v2sf) =	vpush v0, $0x7;
	s8 =	sadd.s32 $0x1400, s8;
	s13 =	sadd.s32 $0x80, s13;
	s7 =	sor.u32 s1, s9  }
0xc3: {  	s1 =	sadd.s32 s16, s31;
	s12 =	sshll.u32 s15, $0x7;
	s15 =	sshll.u32 s15, $0x8  }
0xc4: {  	s9 =	sadd.s32 $0x1000, s7;
	s7 =	sadd.s32 $0x1400, s7;
	s15 =	sand.u32 $0xFFFFF800, s15  }
0xc5: {  	[hbm4b:s13+s21] =	stream.linear.scatter [tilespmem:s8], [sflag:$0x3], $0x80, $0x38;
	[tilespmem:$0x11000] =	vst v63  }
0xc6: {  	s12 =	sand.u32 $0x380, s12;
	s13 =	sshll.u32 s11, $0x8;
	s11 =	sshll.u32 s11, $0x7  }
0xc7: {  	[hbm4b:s10+s21] =	stream.linear.scatter [tilespmem:s9], [sflag:$0x3], $0x80, $0x38;
	[tilespmem:$0x11000] =	vst v63  }
0xc8: {  	s8 =	sadd.s32 s16, s23;
	s11 =	sand.u32 $0x380, s11;
	s10 =	sadd.s32 $0x80, s10  }
0xc9: {  	[hbm4b:s10+s21] =	stream.linear.scatter [tilespmem:s7], [sflag:$0x3], $0x80, $0x38;
	[tilespmem:$0x11000] =	vst v63  }
0xca: {  	s9 =	sadd.s32 $0x80, s8;
	s7 =	spop (v2sf);
	s10 =	sor.u32 s12, s15  }
0xcb: {  	s12 =	sand.u32 $0xFFFFF800, s13;
	s15 =	sadd.s32 $0x1000, s10;
	s13 =	spop (v2sf)  }
0xcc: {  	[hbm4b:s8+s21] =	stream.linear.scatter [tilespmem:s15], [sflag:$0x3], $0x80, $0x38;
	[tilespmem:$0x11000] =	vst v63  }
0xcd: {  	s15 =	sadd.s32 $0x1400, s10;
	s10 =	sor.u32 s11, s12;
	s12 =	spop (v2sf)  }
0xce: {  	[hbm4b:s9+s21] =	stream.linear.scatter [tilespmem:s15], [sflag:$0x3], $0x80, $0x38;
	[tilespmem:$0x11000] =	vst v63  }
0xcf: {  	s11 =	sshll.u32 s12, $0x8;
	s8 =	sshll.u32 s12, $0x7;
	s15 =	sadd.s32 $0x80, s3  }
0xd0: {  	s9 =	sand.u32 $0xFFFFF800, s11;
	s11 =	spop (v2sf);
	s8 =	sand.u32 $0x380, s8  }
0xd1: {  	s3 =	sadd.s32 $0x1000, s10;
	s9 =	sor.u32 s8, s9;
	s8 =	spop (v2sf)  }
0xd2: {  	[hbm4b:s5+s21] =	stream.linear.scatter [tilespmem:s3], [sflag:$0x3], $0x80, $0x38;
	[tilespmem:$0x11000] =	vst v63  }
0xd3: {  	s10 =	sadd.s32 $0x1400, s10;
	s5 =	sadd.s32 $0x80, s5;
	s12 =	sshll.u32 s8, $0x8  }
0xd4: {  	s3 =	sadd.s32 $0x1000, s9;
	s8 =	sshll.u32 s8, $0x7;
	s9 =	sadd.s32 $0x1400, s9  }
0xd5: {  	[hbm4b:s5+s21] =	stream.linear.scatter [tilespmem:s10], [sflag:$0x3], $0x80, $0x38;
	[tilespmem:$0x11000] =	vst v63  }
0xd6: {  	(v2sf) =	vpush v0, $0xB;
	s8 =	sand.u32 $0x380, s8;
	s10 =	smov.u32 s1;
	s1 =	sadd.s32 $0x80, s1  }
0xd7: {  	s5 =	sand.u32 $0xFFFFF800, s12;
	s12 =	sadd.s32 s16, s28;
	[dreg:$0x10] =	wrdreg s1  }
0xd8: {  	s5 =	sor.u32 s8, s5;
	[dreg:$0x14] =	wrdreg s12;
	s12 =	sadd.s32 $0x80, s12  }
0xd9: {  	[hbm4b:s2+s21] =	stream.linear.scatter [tilespmem:s3], [sflag:$0x3], $0x80, $0x38;
	[tilespmem:$0x11000] =	vst v63  }
0xda: {  	s3 =	sadd.s32 s16, s29;
	s2 =	sadd.s32 $0x1000, s5;
	[dreg:$0x15] =	wrdreg s12  }
0xdb: {  	s1 =	sadd.s32 $0x1400, s5;
	s12 =	sshll.u32 s13, $0x7;
	[dreg:$0x12] =	wrdreg s3  }
0xdc: {  	[hbm4b:s6+s21] =	stream.linear.scatter [tilespmem:s9], [sflag:$0x3], $0x80, $0x38;
	[tilespmem:$0x11000] =	vst v63  }
0xdd: {  	s8 =	sadd.s32 $0x80, s3;
	s3 =	sshll.u32 s7, $0x8;
	s9 =	smov.u32 s4  }
0xde: {  	[dreg:$0x13] =	wrdreg s8;
	s8 =	sshll.u32 s11, $0x7;
	s6 =	sadd.s32 $0x80, s9  }
0xdf: {  	s7 =	sshll.u32 s7, $0x7;
	s5 =	sand.u32 $0x380, s8;
	[dreg:$0x11] =	wrdreg s6  }
0xe0: {  	[hbm4b:s0+s21] =	stream.linear.scatter [tilespmem:s2], [sflag:$0x3], $0x80, $0x38;
	[tilespmem:$0x11000] =	vst v63  }
0xe1: {  	s2 =	sld [smem:$0x7E9];
	s6 =	sshll.u32 s11, $0x8;
	s11 =	sshll.u32 s13, $0x8  }
0xe2: {  	s13 =	sand.u32 $0x380, s7;
	s0 =	sand.u32 $0xFFFFF800, s3;
	s4 =	sand.u32 $0xFFFFF800, s6  }
0xe3: {  	s0 =	sor.u32 s13, s0;
	s5 =	sor.u32 s5, s4  }
0xe4: {  	(v2sf) =	vpush v0, $0xC;
	[hbm4b:s2+s21] =	stream.linear.scatter [tilespmem:s1], [sflag:$0x3], $0x80, $0x38;
	[tilespmem:$0x11000] =	vst v63  }
0xe5: {  	(v2sf) =	vpush v0, $0xD;
	s4 =	sand.u32 $0xFFFFF800, s11;
	s11 =	spop (v2sf);
	s21 =	sand.u32 $0x380, s12  }
0xe6: {  	(v2sf) =	vpush v0, $0xE;
	s7 =	sadd.s32 $0x1000, s5;
	s5 =	sadd.s32 $0x1400, s5;
	s4 =	sor.u32 s21, s4  }
.LBB2_2:
0xe7: {  	_ =	sdelay $0x4  }
0xe8: {  	s12 =	sshll.u32 s11, $0x8  }
0xe9: {  	s6 =	sshll.u32 s11, $0x7;
	s3 =	simm.s32 $0x0;
	s1 =	rddreg [dreg:$0xe]  }
0xea: {  	[hbm4b:s1+s3] =	stream.linear.scatter [tilespmem:s7], [sflag:$0x3], $0x80, $0x38;
	[tilespmem:$0x11000] =	vst v63  }
0xeb: {  	s2 =	rddreg [dreg:$0xf];
	s8 =	sand.u32 $0xFFFFF800, s12;
	s12 =	sand.u32 $0x380, s6  }
0xec: {  	[hbm4b:s2+s3] =	stream.linear.scatter [tilespmem:s5], [sflag:$0x3], $0x80, $0x38;
	[tilespmem:$0x11000] =	vst v63  }
0xed: {  	s1 =	sor.u32 s12, s8;
	s8 =	rddreg [dreg:$0x14];
	s2 =	sadd.s32 $0x1000, s4  }
0xee: {  	[hbm4b:s8+s3] =	stream.linear.scatter [tilespmem:s2], [sflag:$0x3], $0x80, $0x38;
	[tilespmem:$0x11000] =	vst v63  }
0xef: {  	s11 =	rddreg [dreg:$0x12];
	s7 =	sadd.s32 $0x1000, s0;
	s13 =	spop (v2sf)  }
0xf0: {  	s12 =	sadd.s32 $0x1400, s4;
	s21 =	sshll.u32 s13, $0x8;
	s6 =	sshll.u32 s13, $0x7  }
0xf1: {  	s13 =	sand.u32 $0xFFFFF800, s21;
	s6 =	sand.u32 $0x380, s6;
	s21 =	rddreg [dreg:$0x15]  }
0xf2: {  	(v2sf) =	vpush v0, $0xF;
	[hbm4b:s21+s3] =	stream.linear.scatter [tilespmem:s12], [sflag:$0x3], $0x80, $0x38;
	[tilespmem:$0x11000] =	vst v63  }
0xf3: {  	s2 =	sadd.s32 $0x1000, s1;
	s8 =	spop (v2sf);
	s5 =	sor.u32 s6, s13  }
0xf4: {  	s12 =	sadd.s32 $0x1400, s0;
	s13 =	sshll.u32 s8, $0x8;
	s6 =	sshll.u32 s8, $0x7  }
0xf5: {  	[hbm4b:s11+s3] =	stream.linear.scatter [tilespmem:s7], [sflag:$0x3], $0x80, $0x38;
	[tilespmem:$0x11000] =	vst v63  }
0xf6: {  	s21 =	rddreg [dreg:$0x13];
	s8 =	spop (v2sf);
	s4 =	sand.u32 $0xFFFFF800, s13  }
0xf7: {  	[hbm4b:s21+s3] =	stream.linear.scatter [tilespmem:s12], [sflag:$0x3], $0x80, $0x38;
	[tilespmem:$0x11000] =	vst v63  }
0xf8: {  	s6 =	sand.u32 $0x380, s6;
	s13 =	sadd.s32 $0x1400, s5;
	s7 =	sadd.s32 $0x1400, s1  }
0xf9: {  	[hbm4b:s9+s3] =	stream.linear.scatter [tilespmem:s2], [sflag:$0x3], $0x80, $0x38;
	[tilespmem:$0x11000] =	vst v63  }
0xfa: {  	s1 =	sor.u32 s6, s4;
	s12 =	sshll.u32 s8, $0x8;
	s2 =	sshll.u32 s8, $0x7  }
0xfb: {  	s4 =	sand.u32 $0xFFFFF800, s12;
	s9 =	rddreg [dreg:$0x11];
	s2 =	sand.u32 $0x380, s2  }
0xfc: {  	[hbm4b:s9+s3] =	stream.linear.scatter [tilespmem:s7], [sflag:$0x3], $0x80, $0x38;
	[tilespmem:$0x11000] =	vst v63  }
0xfd: {  	s11 =	sadd.s32 $0x1000, s5;
	s6 =	sadd.s32 $0x1000, s1;
	s2 =	sor.u32 s2, s4  }
0xfe: {  	[hbm4b:s10+s3] =	stream.linear.scatter [tilespmem:s11], [sflag:$0x3], $0x80, $0x38;
	[tilespmem:$0x11000] =	vst v63  }
0xff: {  	s21 =	rddreg [dreg:$0x10];
	s8 =	sadd.s32 $0x1400, s1;
	s12 =	sadd.s32 $0x1400, s2  }
0x100: {  	[hbm4b:s21+s3] =	stream.linear.scatter [tilespmem:s13], [sflag:$0x3], $0x80, $0x38;
	[tilespmem:$0x11000] =	vst v63  }
0x101: {  	s10 =	sadd.s32 $0x1000, s2;
	s11 =	rddreg [dreg:$0xc];
	s7 =	spop (v2sf)  }
0x102: {  	[hbm4b:s14+s3] =	stream.linear.scatter [tilespmem:s6], [sflag:$0x3], $0x80, $0x38;
	[tilespmem:$0x11000] =	vst v63  }
0x103: {  	s13 =	sadd.s32 $0x80, s11;
	s9 =	sshll.u32 s7, $0x8;
	s4 =	sshll.u32 s7, $0x7  }
0x104: {  	[hbm4b:s15+s3] =	stream.linear.scatter [tilespmem:s8], [sflag:$0x3], $0x80, $0x38;
	[tilespmem:$0x11000] =	vst v63  }
0x105: {  	s21 =	rddreg [dreg:$0xb];
	s1 =	sand.u32 $0xFFFFF800, s9;
	s4 =	sand.u32 $0x380, s4  }
0x106: {  	[hbm4b:s11+s3] =	stream.linear.scatter [tilespmem:s10], [sflag:$0x3], $0x80, $0x38;
	[tilespmem:$0x11000] =	vst v63  }
0x107: {  	s7 =	simm.s32 $0x3;
	s1 =	sor.u32 s4, s1;
	s15 =	rddreg [dreg:$0x9]  }
0x108: {  	[hbm4b:s13+s3] =	stream.linear.scatter [tilespmem:s12], [sflag:$0x3], $0x80, $0x38;
	[tilespmem:$0x11000] =	vst v63  }
0x109: {  	s14 =	rddreg [dreg:$0xa];
	s0 =	sadd.s32 s16, s15;
	s16 =	sadd.s32 $0x1000, s1  }
0x10a: {  	[hbm4b:s0+s3] =	stream.linear.scatter [tilespmem:s16], [sflag:$0x3], $0x80, $0x38;
	[tilespmem:$0x11000] =	vst v63  }
0x10b: {  	s4 =	sadd.s32 $0x40, s14;
	s1 =	sadd.s32 $0x1400, s1;
	s16 =	sshrl.u32 s21, $0x3  }
0x10c: {  	s0 =	sadd.s32 $0x80, s0;
	s22 =	sadd.s32 s16, s22;
	s5 =	sadd.s32 s17, s16  }
0x10d: {  	[hbm4b:s0+s3] =	stream.linear.scatter [tilespmem:s1], [sflag:$0x3], $0x80, $0x38;
	[tilespmem:$0x11000] =	vst v63  }
0x10e: {  	s8 =	sadd.s32 $0x80, s5;
	_ =	swait.ge [sflag:s7], $0x1000;
	[dreg:$0xa] =	wrdreg s4  }
0x10f: {  	s6 =	sshra.s32 s14, $0x2;
	s9 =	sadd.s32 $0x80, s22;
	[dreg:$0x1d] =	wrdreg s8  }
0x110: {  	s10 =	sadd.s32 s16, s25;
	[dreg:$0x1b] =	wrdreg s9;
	[sflag:s7] =	ssyncset.done $0x0  }
0x111: {  	s13 =	sadd.s32 s16, s19;
	[dreg:$0x19] =	wrdreg s10;
	[sflag:s7] =	ssyncadd.s32 $0xFFFFF000  }
0x112: {  	s0 =	sadd.s32 $0x80, s13;
	[dreg:$0x17] =	wrdreg s13;
	v0 =	vld [tilespmem:s6+$0x0]  }
0x113: {  	p0 =	sne.s32 s14, $0x3FC0;
	s14 =	sadd.s32 s16, s26;
	[dreg:$0x16] =	wrdreg s0  }
0x114: {  	s2 =	sadd.s32 $0x4000, s21;
	[dreg:$0xe] =	wrdreg s14  }
0x115: {  	s0 =	sadd.s32 $0x80, s14;
	[dreg:$0xb] =	wrdreg s2  }
0x116: {  	[dreg:$0xf] =	wrdreg s0  }
0x117: {  	s17 =	rddreg [dreg:$0xd];
	(v2sf) =	vpush v0, $0x0  }
0x118: {  	s11 =	sadd.s32 s16, s20;
	s2 =	sadd.s32 $0x80, s10;
	s21 =	rddreg [dreg:$0x8];
	(v2sf) =	vpush v0, $0x1  }
0x119: {  	s9 =	sadd.s32 $0x80, s11;
	[dreg:$0x18] =	wrdreg s2  }
0x11a: {  	s10 =	sadd.s32 s16, s29;
	[dreg:$0x1f] =	wrdreg s9  }
0x11b: {  	s13 =	sadd.s32 s16, s28;
	[dreg:$0x12] =	wrdreg s10;
	(v2sf) =	vpush v0, $0x3  }
0x11c: {  	s29 =	sadd.s32 s16, s23;
	s23 =	sadd.s32 $0x80, s10;
	[dreg:$0x14] =	wrdreg s13;
	(v2sf) =	vpush v0, $0x4  }
0x11d: {  	s0 =	sadd.s32 s16, s21;
	[dreg:$0x13] =	wrdreg s23;
	(v2sf) =	vpush v0, $0x2  }
0x11e: {  	s12 =	sadd.s32 s16, s30;
	s7 =	sadd.s32 s16, s31;
	[dreg:$0xc] =	wrdreg s0  }
0x11f: {  	s4 =	sadd.s32 s16, s17;
	s17 =	sadd.s32 $0x80, s12;
	[dreg:$0x1a] =	wrdreg s7  }
0x120: {  	s21 =	sadd.s32 $0x80, s29;
	[dreg:$0x11] =	wrdreg s17;
	(v2sf) =	vpush v0, $0x5  }
0x121: {  	s6 =	sadd.s32 s16, s18;
	[dreg:$0x1c] =	wrdreg s21  }
0x122: {  	s8 =	sadd.s32 $0x80, s4;
	[smem:$0x7E5] =	sst s6  }
0x123: {  	s15 =	sadd.s32 s16, s24;
	s0 =	sadd.s32 $0x80, s7;
	[dreg:$0x1e] =	wrdreg s8  }
0x124: {  	s17 =	sadd.s32 $0x80, s15;
	[dreg:$0x10] =	wrdreg s0;
	s21 =	sadd.s32 $0x80, s6;
	(v2sf) =	vpush v0, $0xA  }
0x125: {  	s6 =	smov.u32 s19;
	s19 =	smov.u32 s25;
	s0 =	smov.u32 s31  }
0x126: {  	[smem:$0x7E6] =	sst s21;
	s21 =	smov.u32 s26;
	s1 =	spop (v2sf)  }
0x127: {  	s8 =	sshll.u32 s1, $0x8;
	s7 =	sshll.u32 s1, $0x7;
	s10 =	spop (v2sf)  }
0x128: {  	s1 =	sadd.s32 $0x80, s13;
	s13 =	smov.u32 s24;
	s14 =	sand.u32 $0xFFFFF800, s8  }
0x129: {  	(v2sf) =	vpush v0, $0x9;
	[dreg:$0x15] =	wrdreg s1;
	s7 =	sand.u32 $0x380, s7;
	s30 =	sshll.u32 s10, $0x8  }
0x12a: {  	s2 =	spop (v2sf);
	s8 =	sshll.u32 s10, $0x7;
	s23 =	sor.u32 s7, s14  }
0x12b: {  	(v2sf) =	vpush v0, $0x6;
	s9 =	spop (v2sf);
	s7 =	sand.u32 $0x380, s8;
	s8 =	sshll.u32 s2, $0x8  }
0x12c: {  	s25 =	sshll.u32 s2, $0x7;
	s30 =	sand.u32 $0xFFFFF800, s30;
	s10 =	spop (v2sf)  }
0x12d: {  	s8 =	sand.u32 $0xFFFFF800, s8;
	s31 =	sshll.u32 s9, $0x7;
	s1 =	sshll.u32 s9, $0x8  }
0x12e: {  	s2 =	sadd.s32 $0x1000, s23;
	s9 =	smov.u32 s18;
	s18 =	smov.u32 s20  }
0x12f: {  	s25 =	sand.u32 $0x380, s25;
	s14 =	sshll.u32 s10, $0x7;
	s24 =	spop (v2sf)  }
0x130: {  	[hbm4b:s5+s3] =	stream.linear.scatter [tilespmem:s2], [sflag:$0x3], $0x80, $0x38;
	[tilespmem:$0x11000] =	vst v63  }
0x131: {  	s26 =	sshll.u32 s10, $0x8;
	s8 =	sor.u32 s25, s8;
	s25 =	smov.u32 s19  }
0x132: {  	s19 =	smov.u32 s6;
	s1 =	sand.u32 $0xFFFFF800, s1;
	s10 =	sand.u32 $0x380, s14  }
0x133: {  	s14 =	smov.u32 s28;
	s28 =	sor.u32 s7, s30;
	s30 =	spop (v2sf)  }
0x134: {  	(v2sf) =	vpush v0, $0x8;
	s26 =	sand.u32 $0xFFFFF800, s26;
	s7 =	smov.u32 s15;
	s15 =	sshll.u32 s30, $0x8  }
0x135: {  	s20 =	sadd.s32 $0x1000, s28;
	s2 =	sadd.s32 $0x1400, s28;
	s28 =	smov.u32 s14  }
0x136: {  	s5 =	sor.u32 s10, s26;
	s26 =	smov.u32 s21;
	s21 =	rddreg [dreg:$0x1d]  }
0x137: {  	s14 =	smov.u32 s4;
	[smem:$0x7E7] =	sst s15;
	s15 =	sadd.s32 $0x1400, s23  }
0x138: {  	s23 =	spop (v2sf);
	s4 =	sadd.s32 $0x1000, s5;
	s5 =	sadd.s32 $0x1400, s5  }
0x139: {  	[hbm4b:s21+s3] =	stream.linear.scatter [tilespmem:s15], [sflag:$0x3], $0x80, $0x38;
	[tilespmem:$0x11000] =	vst v63  }
0x13a: {  	s10 =	spop (v2sf);
	s21 =	sand.u32 $0x380, s31;
	s31 =	smov.u32 s0  }
0x13b: {  	s6 =	sshll.u32 s10, $0x8;
	s10 =	sshll.u32 s10, $0x7;
	s1 =	sor.u32 s21, s1  }
0x13c: {  	[hbm4b:s22+s3] =	stream.linear.scatter [tilespmem:s20], [sflag:$0x3], $0x80, $0x38;
	[tilespmem:$0x11000] =	vst v63  }
0x13d: {  	(v2sf) =	vpush v0, $0x7;
	s21 =	sshll.u32 s24, $0x8;
	s15 =	sand.u32 $0xFFFFF800, s6;
	s6 =	rddreg [dreg:$0x1b]  }
0x13e: {  	s10 =	sand.u32 $0x380, s10;
	s0 =	sadd.s32 $0x1000, s1;
	s22 =	sshll.u32 s24, $0x7  }
0x13f: {  	s24 =	smov.u32 s13;
	s10 =	sor.u32 s10, s15;
	s15 =	rddreg [dreg:$0x1e]  }
0x140: {  	[hbm4b:s6+s3] =	stream.linear.scatter [tilespmem:s2], [sflag:$0x3], $0x80, $0x38;
	[tilespmem:$0x11000] =	vst v63  }
0x141: {  	s1 =	sadd.s32 $0x1400, s1;
	s13 =	sand.u32 $0x380, s22;
	s22 =	sld [smem:$0x7E5]  }
0x142: {  	[hbm4b:s11+s3] =	stream.linear.scatter [tilespmem:s4], [sflag:$0x3], $0x80, $0x38;
	[tilespmem:$0x11000] =	vst v63  }
0x143: {  	s2 =	sadd.s32 $0x1000, s8;
	s11 =	rddreg [dreg:$0x1f];
	s20 =	spop (v2sf)  }
0x144: {  	[hbm4b:s11+s3] =	stream.linear.scatter [tilespmem:s5], [sflag:$0x3], $0x80, $0x38;
	[tilespmem:$0x11000] =	vst v63  }
0x145: {  	s8 =	sadd.s32 $0x1400, s8;
	s4 =	sand.u32 $0xFFFFF800, s21;
	s21 =	sshll.u32 s20, $0x8  }
0x146: {  	s4 =	sor.u32 s13, s4;
	s11 =	sand.u32 $0xFFFFF800, s21;
	s21 =	sld [smem:$0x7E6]  }
0x147: {  	[hbm4b:s22+s3] =	stream.linear.scatter [tilespmem:s2], [sflag:$0x3], $0x80, $0x38;
	[tilespmem:$0x11000] =	vst v63  }
0x148: {  	s13 =	sshll.u32 s20, $0x7;
	s20 =	smov.u32 s18;
	s18 =	smov.u32 s9  }
0x149: {  	[hbm4b:s21+s3] =	stream.linear.scatter [tilespmem:s8], [sflag:$0x3], $0x80, $0x38;
	[tilespmem:$0x11000] =	vst v63  }
0x14a: {  	s9 =	smov.u32 s12;
	s5 =	sand.u32 $0x380, s13;
	s13 =	rddreg [dreg:$0x1c]  }
0x14b: {  	[hbm4b:s29+s3] =	stream.linear.scatter [tilespmem:s0], [sflag:$0x3], $0x80, $0x38;
	[tilespmem:$0x11000] =	vst v63  }
0x14c: {  	s22 =	sadd.s32 $0x1000, s4;
	s6 =	spop (v2sf);
	s29 =	rddreg [dreg:$0x6]  }
0x14d: {  	(v2sf) =	vpush v0, $0xB;
	s0 =	sadd.s32 $0x1400, s4;
	s12 =	sshll.u32 s6, $0x8;
	s21 =	sshll.u32 s6, $0x7  }
0x14e: {  	[hbm4b:s13+s3] =	stream.linear.scatter [tilespmem:s1], [sflag:$0x3], $0x80, $0x38;
	[tilespmem:$0x11000] =	vst v63  }
0x14f: {  	s6 =	sshll.u32 s23, $0x8;
	s2 =	sand.u32 $0xFFFFF800, s12;
	s12 =	sld [smem:$0x7E7]  }
0x150: {  	s1 =	sadd.s32 $0x1000, s10;
	s4 =	sand.u32 $0x380, s21;
	s21 =	rddreg [dreg:$0x19]  }
0x151: {  	s8 =	sand.u32 $0xFFFFF800, s6;
	s6 =	sadd.s32 $0x1400, s10;
	s10 =	rddreg [dreg:$0x1a]  }
0x152: {  	[hbm4b:s7+s3] =	stream.linear.scatter [tilespmem:s22], [sflag:$0x3], $0x80, $0x38;
	[tilespmem:$0x11000] =	vst v63  }
0x153: {  	s22 =	rddreg [dreg:$0x4]  }
0x154: {  	s30 =	sshll.u32 s30, $0x7;
	s7 =	sshll.u32 s23, $0x7;
	s23 =	rddreg [dreg:$0x5]  }
0x155: {  	s5 =	sor.u32 s5, s11;
	s11 =	sand.u32 $0x380, s7;
	s7 =	rddreg [dreg:$0x18]  }
0x156: {  	[hbm4b:s17+s3] =	stream.linear.scatter [tilespmem:s0], [sflag:$0x3], $0x80, $0x38;
	[tilespmem:$0x11000] =	vst v63  }
0x157: {  	s30 =	sand.u32 $0x380, s30;
	s13 =	sand.u32 $0xFFFFF800, s12;
	s12 =	rddreg [dreg:$0x17]  }
0x158: {  	[hbm4b:s21+s3] =	stream.linear.scatter [tilespmem:s1], [sflag:$0x3], $0x80, $0x38;
	[tilespmem:$0x11000] =	vst v63  }
0x159: {  	s2 =	sor.u32 s4, s2;
	s17 =	rddreg [dreg:$0x2];
	s4 =	sor.u32 s11, s8  }
0x15a: {  	[hbm4b:s7+s3] =	stream.linear.scatter [tilespmem:s6], [sflag:$0x3], $0x80, $0x38;
	[tilespmem:$0x11000] =	vst v63  }
.Ltmp0:
0x15b: {  	s8 =	sadd.s32 $0x1000, s2;
	s0 =	sor.u32 s30, s13;
	(pc) =	sbr.rel @p0 .LBB2_2-.Ltmp0, $4  }
0x15c: {  	s30 =	rddreg [dreg:$0x7];
	s13 =	sadd.s32 $0x1400, s2;
	s11 =	spop (v2sf)  }
0x15d: {  	(v2sf) =	vpush v0, $0xC;
	[hbm4b:s12+s3] =	stream.linear.scatter [tilespmem:s8], [sflag:$0x3], $0x80, $0x38;
	[tilespmem:$0x11000] =	vst v63  }
0x15e: {  	(v2sf) =	vpush v0, $0xD;
	s21 =	rddreg [dreg:$0x16];
	s7 =	sadd.s32 $0x1000, s5;
	s5 =	sadd.s32 $0x1400, s5  }
0x15f: {  	(v2sf) =	vpush v0, $0xE;
	[hbm4b:s21+s3] =	stream.linear.scatter [tilespmem:s13], [sflag:$0x3], $0x80, $0x38;
	[tilespmem:$0x11000] =	vst v63  }
0x160: {  	_ =	sdelay $0x5  }
0x161: {  	s1 =	sshll.u32 s11, $0x8;
	s3 =	simm.s32 $0x0;
	s6 =	rddreg [dreg:$0xe]  }
0x162: {  	[hbm4b:s6+s3] =	stream.linear.scatter [tilespmem:s7], [sflag:$0x3], $0x80, $0x38;
	[tilespmem:$0x11000] =	vst v63  }
0x163: {  	s2 =	sshll.u32 s11, $0x7;
	s11 =	rddreg [dreg:$0xf];
	s12 =	sadd.s32 $0x1000, s4  }
0x164: {  	[hbm4b:s11+s3] =	stream.linear.scatter [tilespmem:s5], [sflag:$0x3], $0x80, $0x38;
	[tilespmem:$0x11000] =	vst v63  }
0x165: {  	s21 =	rddreg [dreg:$0x14];
	s1 =	sand.u32 $0xFFFFF800, s1;
	s2 =	sand.u32 $0x380, s2  }
0x166: {  	[hbm4b:s21+s3] =	stream.linear.scatter [tilespmem:s12], [sflag:$0x3], $0x80, $0x38;
	[tilespmem:$0x11000] =	vst v63  }
0x167: {  	s1 =	sor.u32 s2, s1;
	s8 =	spop (v2sf)  }
0x168: {  	s12 =	rddreg [dreg:$0x15];
	s7 =	sshll.u32 s8, $0x8;
	s13 =	sshll.u32 s8, $0x7  }
0x169: {  	s8 =	sadd.s32 $0x1400, s4;
	s21 =	spop (v2sf);
	s11 =	sand.u32 $0xFFFFF800, s7  }
0x16a: {  	(v2sf) =	vpush v0, $0xF;
	[hbm4b:s12+s3] =	stream.linear.scatter [tilespmem:s8], [sflag:$0x3], $0x80, $0x38;
	[tilespmem:$0x11000] =	vst v63  }
0x16b: {  	s2 =	sand.u32 $0x380, s13;
	s13 =	sadd.s32 $0x1000, s0;
	s7 =	rddreg [dreg:$0x12]  }
0x16c: {  	s8 =	sadd.s32 $0x1400, s0;
	s5 =	sshll.u32 s21, $0x7;
	s12 =	rddreg [dreg:$0x13]  }
0x16d: {  	s6 =	spop (v2sf);
	s2 =	sor.u32 s2, s11;
	s11 =	sshll.u32 s21, $0x8  }
0x16e: {  	[hbm4b:s7+s3] =	stream.linear.scatter [tilespmem:s13], [sflag:$0x3], $0x80, $0x38;
	[tilespmem:$0x11000] =	vst v63  }
0x16f: {  	s5 =	sand.u32 $0x380, s5;
	s21 =	sadd.s32 $0x1400, s1;
	s13 =	sadd.s32 $0x1000, s1  }
0x170: {  	[hbm4b:s12+s3] =	stream.linear.scatter [tilespmem:s8], [sflag:$0x3], $0x80, $0x38;
	[tilespmem:$0x11000] =	vst v63  }
0x171: {  	s4 =	sand.u32 $0xFFFFF800, s11;
	s7 =	rddreg [dreg:$0x11];
	s11 =	sadd.s32 $0x1400, s2  }
0x172: {  	[hbm4b:s9+s3] =	stream.linear.scatter [tilespmem:s13], [sflag:$0x3], $0x80, $0x38;
	[tilespmem:$0x11000] =	vst v63  }
0x173: {  	s1 =	sor.u32 s5, s4;
	s4 =	sshll.u32 s6, $0x7;
	s8 =	sadd.s32 $0x1000, s2  }
0x174: {  	[hbm4b:s7+s3] =	stream.linear.scatter [tilespmem:s21], [sflag:$0x3], $0x80, $0x38;
	[tilespmem:$0x11000] =	vst v63  }
0x175: {  	s4 =	sand.u32 $0x380, s4;
	s9 =	sshll.u32 s6, $0x8;
	s13 =	rddreg [dreg:$0x10]  }
0x176: {  	[hbm4b:s10+s3] =	stream.linear.scatter [tilespmem:s8], [sflag:$0x3], $0x80, $0x38;
	[tilespmem:$0x11000] =	vst v63  }
0x177: {  	s6 =	sadd.s32 $0x1400, s1;
	s12 =	sand.u32 $0xFFFFF800, s9;
	s9 =	rddreg [dreg:$0xc]  }
0x178: {  	[hbm4b:s13+s3] =	stream.linear.scatter [tilespmem:s11], [sflag:$0x3], $0x80, $0x38;
	[tilespmem:$0x11000] =	vst v63  }
0x179: {  	s21 =	sadd.s32 $0x1000, s1;
	s2 =	sor.u32 s4, s12;
	s5 =	spop (v2sf)  }
0x17a: {  	[hbm4b:s14+s3] =	stream.linear.scatter [tilespmem:s21], [sflag:$0x3], $0x80, $0x38;
	[tilespmem:$0x11000] =	vst v63  }
0x17b: {  	s12 =	rddreg [dreg:$0x9];
	s7 =	sshll.u32 s5, $0x8;
	s4 =	sshll.u32 s5, $0x7  }
0x17c: {  	[hbm4b:s15+s3] =	stream.linear.scatter [tilespmem:s6], [sflag:$0x3], $0x80, $0x38;
	[tilespmem:$0x11000] =	vst v63  }
0x17d: {  	s8 =	sadd.s32 $0x1000, s2;
	s1 =	sand.u32 $0xFFFFF800, s7;
	s4 =	sand.u32 $0x380, s4  }
0x17e: {  	[hbm4b:s9+s3] =	stream.linear.scatter [tilespmem:s8], [sflag:$0x3], $0x80, $0x38;
	[tilespmem:$0x11000] =	vst v63  }
0x17f: {  	s10 =	sadd.s32 $0x1400, s2;
	s11 =	sadd.s32 $0x80, s9;
	s1 =	sor.u32 s4, s1  }
0x180: {  	[hbm4b:s11+s3] =	stream.linear.scatter [tilespmem:s10], [sflag:$0x3], $0x80, $0x38;
	[tilespmem:$0x11000] =	vst v63  }
0x181: {  	s13 =	sadd.s32 s16, s12;
	s14 =	sadd.s32 $0x1000, s1  }
0x182: {  	[hbm4b:s13+s3] =	stream.linear.scatter [tilespmem:s14], [sflag:$0x3], $0x80, $0x38;
	[tilespmem:$0x11000] =	vst v63  }
0x183: {  	s0 =	sadd.s32 $0x80, s13;
	s15 =	simm.s32 $0x3;
	s1 =	sadd.s32 $0x1400, s1  }
0x184: {  	[hbm4b:s0+s3] =	stream.linear.scatter [tilespmem:s1], [sflag:$0x3], $0x80, $0x38;
	[tilespmem:$0x11000] =	vst v63  }
0x185: {  	_ =	swait.ge [sflag:s15], $0x1000  }
0x186: {  	[sflag:s15] =	ssyncset.done $0x0  }
0x187: {  	[sflag:s15] =	ssyncadd.s32 $0xFFFFF000  }
0x188: {  	_ =	swait.ge [sflag:s15], $0x1000  }
0x189: {  	s16 =	sld [smem:$0x7E8]  }
0x18a: {  	s21 =	sld [smem:$0x7FC];
	_ =	sdelay $0x1  }
0x18b: {  	s1 =	sadd.s32 $0x1, s16  }
0x18c: {  	p0 =	sne.s32 s1, s21  }
.Ltmp1:
0x18d: {  	_ = 	snop;
	(pc) =	sbr.rel @p0 .LBB2_1-.Ltmp1, $3  }
0x18e: {  	_ =	sdelay $0x1  }
0x18f: {  	[sflag:s15] =	ssyncset.done $0x0  }
0x190: {  	s3 =	rddreg [dreg:$0xd];
	[sflag:s15] =	ssyncadd.s32 $0xFFFFF000  }
0x191: {  	_ =	sfence.sel $0x180000  }
0x192: {  	[bflag:$0x0] =	sbarrier.arrive $0xFFFF  }
0x193: {  	_ =	strace $0x90000047  }
0x194: {  	s0 =	stileid.u32;
	[bflag:$0x2] =	sbarrier.arrive $0xFFFF  }
0x195: {  	p0 =	sne.s32 s0, $0x0;
	s0 =	rddreg [dreg:$0x3]  }
0x196: {  	s0 =	sadd.s32 @!p0 $0x100000, s0  }
0x197: {  	[sflag:s0] =	ssyncadd.tile.s32 @!p0 $0x1;
	_ =	shalt  }
.Lfunc_end2:
_tile_overlayer_lowered:
.L_overlay_start_2:
0x198: {  	(tag) =	ssettag $0x2  }
0x199: {  	s0 =	rddreg [dreg:$0x0];
	s2 =	stileid.u32  }
0x19a: {  	s1 =	rddreg [dreg:$0x1];
	p0 =	sne.s32 s2, $0x0  }
0x19b: {  	s3 =	rddreg [dreg:$0x2];
	[bflag:$0x3] =	sbarrier.arrive $0xFFFF;
	s2 =	simm.s32 @!p0 $0x1C04  }
0x19c: {  	[timem:s3], [sflag:s2] =	dma.local @!p0 [hbm:s0], s1  }
0x19d: {  	s0 =	simm.s32 @!p0 $0x4  }
0x19e: {  	_ =	swait.ge @!p0 [sflag:s0], s1  }
0x19f: {  	s1 =	ssub.s32 @!p0 $0x0, s1;
	[sflag:s0] =	ssyncset.done @!p0 $0x0  }
0x1a0: {  	[sflag:s0] =	ssyncadd.s32 @!p0 s1  }
0x1a1: {  	[bflag:$0x3] =	sbarrier.arrive $0xFFFF  }
0x1a2: {  	_ =	shalt  }

</sc_bundles>
